<compile_context>
chip_gen: v7x
topology: tpu7x:2x2x1
jax: 0.10.2.dev20260603
libtpu: 0.0.44.dev20260713+nightly
codegen_flags: <defaults>
</compile_context>

<pallas_src>
import functools

import jax
import jax.numpy as jnp
from jax import lax
from jax.experimental import pallas as pl
from jax.experimental.pallas import tpu as pltpu
from jax.experimental.pallas import tpu_sc as plsc

_INFO = plsc.get_sparse_core_info()
_NC, _NS = _INFO.num_cores, _INFO.num_subcores
_NW = _NC * _NS


def _make_gather(n_rows: int, n_cols: int, v_len: int):
    col_chunk = 128
    assert n_cols % (_NW * col_chunk) == 0
    cols_per_w = n_cols // _NW
    n_passes = cols_per_w // col_chunk
    mesh = plsc.VectorSubcoreMesh(core_axis_name="c", subcore_axis_name="s")

    @functools.partial(
        pl.kernel,
        mesh=mesh,
        out_type=jax.ShapeDtypeStruct((n_rows, n_cols), jnp.float32),
        scratch_types=[
            pltpu.VMEM((2, n_rows, col_chunk), jnp.int32),
            pltpu.VMEM((2, n_rows, col_chunk), jnp.float32),
            pltpu.VMEM((64,), jnp.int32),
            pltpu.VMEM((64,), jnp.float32),
            pltpu.VMEM_SHARED((v_len,), jnp.float32),
            pltpu.SemaphoreType.DMA,
            pltpu.SemaphoreType.DMA,
            pltpu.SemaphoreType.DMA,
        ],
    )
    def gather_kernel(
        idx_hbm, table_hbm, out_hbm,
        idx_v, rows_v, tail_idx, tail_val, tbl_s, sem, sem_i, sem_w,
    ):
        sid = lax.axis_index("s")
        wid = sid * _NC + lax.axis_index("c")
        w0 = wid * cols_per_w

        n_blocks = v_len // 128
        tail_off = n_blocks * 128
        tail = v_len - tail_off
        per = n_blocks // _NS
        extra = n_blocks - per * _NS
        off = 0
        for k in range(_NS):
            cnt = (per + (1 if k < extra else 0)) * 128

            @pl.when(sid == k)
            def _(off=off, cnt=cnt):
                pltpu.sync_copy(
                    table_hbm.at[pl.ds(off, cnt)], tbl_s.at[pl.ds(off, cnt)]
                )

            off += cnt

        if tail:

            @pl.when(sid == 0)
            def _():
                for j in range(tail // 16):
                    tail_idx[pl.ds(j * 16, 16)] = (
                        lax.iota(jnp.int32, 16) + (tail_off + j * 16)
                    )
                pltpu.async_copy(
                    table_hbm.at[tail_idx], tail_val, sem_i
                ).wait()
                pltpu.async_copy(tail_val, tbl_s.at[tail_idx], sem_i).wait()

        pltpu.make_async_copy(
            idx_hbm.at[:, pl.ds(w0, col_chunk)], idx_v.at[0], sem_i
        ).start()
        plsc.subcore_barrier()

        out_w0 = out_hbm.at[:, pl.ds(w0, col_chunk)]

        def do_pass(p, carry):
            buf = lax.rem(p, 2)
            nbuf = lax.rem(p + 1, 2)
            cbase = w0 + p * col_chunk
            pltpu.make_async_copy(
                idx_hbm.at[:, pl.ds(cbase, col_chunk)], idx_v.at[buf], sem_i
            ).wait()

            @pl.when(p >= 2)
            def _():
                pltpu.make_async_copy(rows_v.at[buf], out_w0, sem_w).wait()

            @pl.when(p + 1 < n_passes)
            def _():
                pltpu.make_async_copy(
                    idx_hbm.at[:, pl.ds(cbase + col_chunk, col_chunk)],
                    idx_v.at[nbuf],
                    sem_i,
                ).start()

            def fire(r, cy):
                pltpu.make_async_copy(
                    tbl_s.at[idx_v.at[buf, r]], rows_v.at[buf, r], sem
                ).start()
                return cy

            lax.fori_loop(0, n_rows, fire, 0)

            pltpu.make_async_copy(out_w0, rows_v.at[buf], sem).wait()
            pltpu.make_async_copy(
                rows_v.at[buf], out_hbm.at[:, pl.ds(cbase, col_chunk)], sem_w
            ).start()
            return carry

        lax.fori_loop(0, n_passes, do_pass, 0)
        for _ in range(min(2, n_passes)):
            pltpu.make_async_copy(rows_v.at[0], out_w0, sem_w).wait()

    return gather_kernel


@jax.jit
def kernel(idx, v):
    n, m = idx.shape
    idx_t = idx.astype(jnp.int32).T
    out_t = _make_gather(m, n, v.shape[0])(idx_t, v)
    return out_t.T

# --- scband reference (transcript-rebuilt; emitter-appended) ---
"""Pipeline reference for scband-vector-18098992185912 (READ-ONLY COPY).

The authoritative reference and input builder live on the scoring server;
editing this copy changes nothing except your own understanding.
"""

import jax, jax.numpy as jnp
import numpy as np

N_DIMS = 1000000

def setup_inputs(seed: int = 0) -> dict:
    key = jax.random.key(seed)
    k1, k2 = jax.random.split(key)
    # xavier_uniform on v[None, :] -> fan_in=1... torch computes fan over (1, n_dims): fan_in=n_dims, fan_out=1
    bound = float(np.sqrt(6.0 / (N_DIMS + 1)))
    v = jax.random.uniform(k1, (N_DIMS,), minval=-bound, maxval=bound, dtype=jnp.float32)
    idx = jax.random.randint(k2, (16384, 100), 0, N_DIMS, dtype=jnp.int64 if jax.config.jax_enable_x64 else jnp.int32)
    return {"idx": idx, "v": v}

def reference(idx, v):
    # Vector.forward: return self.v[idx]
    return jnp.take(v, idx, axis=0)

if __name__ == "__main__":
    import jax
    _d = setup_inputs()
    print(jax.jit(kernel)(*tuple(_d.values())))

</pallas_src>

<mosaic_0001>
#map = affine_map<(d0, d1) -> (0, 0)>
#map1 = affine_map<(d0, d1) -> (0)>
module attributes {stable_mosaic.version = 14 : i64} {
  func.func @gather_kernel(%arg0: i32, %arg1: i32, %arg2: memref<100x16384xi32, #tpu.memory_space<hbm>>, %arg3: memref<1000000xf32, #tpu.memory_space<hbm>>, %arg4: memref<100x16384xf32, #tpu.memory_space<hbm>>, %arg5: memref<2x100x128xi32, #tpu.memory_space<vmem>>, %arg6: memref<2x100x128xf32, #tpu.memory_space<vmem>>, %arg7: memref<64xi32, #tpu.memory_space<vmem>>, %arg8: memref<64xf32, #tpu.memory_space<vmem>>, %arg9: memref<1000000xf32, #tpu.memory_space<vmem_shared>>, %arg10: memref<!tpu.dma_semaphore, #tpu.memory_space<semaphore_mem>>, %arg11: memref<!tpu.dma_semaphore, #tpu.memory_space<semaphore_mem>>, %arg12: memref<!tpu.dma_semaphore, #tpu.memory_space<semaphore_mem>>) attributes {dimension_semantics = [#tpu.dimension_semantics<core_parallel>, #tpu.dimension_semantics<subcore_parallel>], iteration_bounds = array<i64: 2, 16>, scalar_prefetch = 0 : i64, scratch_operands = 8 : i64, tpu.core_type = #tpu.core_type<sc_vector_subcore>, window_params = [{transform_indices = #map}, {transform_indices = #map1}, {transform_indices = #map}]} {
    %mul3A = arith.constant 2 : i32
    %mul3A_0 = arith.muli %arg1, %mul3A : i32
    %add3A = arith.addi %mul3A_0, %arg0 : i32
    %mul3A_1 = arith.constant 512 : i32
    %mul3A_2 = arith.muli %add3A, %mul3A_1 : i32
    %eq3A = arith.constant 0 : i32
    %eq3A_3 = arith.cmpi eq, %arg1, %eq3A : i32
    %convert_element_type3A = arith.extui %eq3A_3 : i1 to i32
    %cond3A = arith.constant 0 : i32
    %cond3A_4 = arith.cmpi ne, %convert_element_type3A, %cond3A : i32
    scf.if %cond3A_4 {
      "tpu.region"() ({
        %run_scoped3A = tpu.sem_alloc : memref<!tpu.dma_semaphore, #tpu.memory_space<semaphore_mem>>
        %dma_start3A_127 = arith.constant 0 : i32
        %dma_start3A_128 = tpu.memref_slice %arg9[%dma_start3A_127] : memref<1000000xf32, #tpu.memory_space<vmem_shared>> -> memref<62592xf32, #tpu.memory_space<vmem_shared>>
        %dma_start3A_129 = arith.constant 0 : i32
        %dma_start3A_130 = tpu.memref_slice %arg3[%dma_start3A_129] : memref<1000000xf32, #tpu.memory_space<hbm>> -> memref<62592xf32, #tpu.memory_space<hbm>>
        tpu.enqueue_dma source(%dma_start3A_130 : memref<62592xf32, #tpu.memory_space<hbm>>) target(%dma_start3A_128 : memref<62592xf32, #tpu.memory_space<vmem_shared>>) target_semaphore(%run_scoped3A : memref<!tpu.dma_semaphore, #tpu.memory_space<semaphore_mem>>)
        %dma_wait3A_131 = arith.constant 0 : i32
        %dma_wait3A_132 = tpu.memref_slice %arg9[%dma_wait3A_131] : memref<1000000xf32, #tpu.memory_space<vmem_shared>> -> memref<62592xf32, #tpu.memory_space<vmem_shared>>
        %dma_wait3A_133 = arith.constant 0 : i32
        %dma_wait3A_134 = tpu.memref_slice %arg3[%dma_wait3A_133] : memref<1000000xf32, #tpu.memory_space<hbm>> -> memref<62592xf32, #tpu.memory_space<hbm>>
        tpu.wait_dma2 semaphore(%run_scoped3A : memref<!tpu.dma_semaphore, #tpu.memory_space<semaphore_mem>>) src(%dma_wait3A_134 : memref<62592xf32, #tpu.memory_space<hbm>>) dst(%dma_wait3A_132 : memref<62592xf32, #tpu.memory_space<vmem_shared>>)
        tpu.yield
      }) : () -> ()
    } else {
    }
    %eq3A_5 = arith.constant 1 : i32
    %eq3A_6 = arith.cmpi eq, %arg1, %eq3A_5 : i32
    %convert_element_type3A_7 = arith.extui %eq3A_6 : i1 to i32
    %cond3A_8 = arith.constant 0 : i32
    %cond3A_9 = arith.cmpi ne, %convert_element_type3A_7, %cond3A_8 : i32
    scf.if %cond3A_9 {
      "tpu.region"() ({
        %run_scoped3A = tpu.sem_alloc : memref<!tpu.dma_semaphore, #tpu.memory_space<semaphore_mem>>
        %dma_start3A_127 = arith.constant 62592 : i32
        %dma_start3A_128 = tpu.memref_slice %arg9[%dma_start3A_127] : memref<1000000xf32, #tpu.memory_space<vmem_shared>> -> memref<62592xf32, #tpu.memory_space<vmem_shared>>
        %dma_start3A_129 = arith.constant 62592 : i32
        %dma_start3A_130 = tpu.memref_slice %arg3[%dma_start3A_129] : memref<1000000xf32, #tpu.memory_space<hbm>> -> memref<62592xf32, #tpu.memory_space<hbm>>
        tpu.enqueue_dma source(%dma_start3A_130 : memref<62592xf32, #tpu.memory_space<hbm>>) target(%dma_start3A_128 : memref<62592xf32, #tpu.memory_space<vmem_shared>>) target_semaphore(%run_scoped3A : memref<!tpu.dma_semaphore, #tpu.memory_space<semaphore_mem>>)
        %dma_wait3A_131 = arith.constant 62592 : i32
        %dma_wait3A_132 = tpu.memref_slice %arg9[%dma_wait3A_131] : memref<1000000xf32, #tpu.memory_space<vmem_shared>> -> memref<62592xf32, #tpu.memory_space<vmem_shared>>
        %dma_wait3A_133 = arith.constant 62592 : i32
        %dma_wait3A_134 = tpu.memref_slice %arg3[%dma_wait3A_133] : memref<1000000xf32, #tpu.memory_space<hbm>> -> memref<62592xf32, #tpu.memory_space<hbm>>
        tpu.wait_dma2 semaphore(%run_scoped3A : memref<!tpu.dma_semaphore, #tpu.memory_space<semaphore_mem>>) src(%dma_wait3A_134 : memref<62592xf32, #tpu.memory_space<hbm>>) dst(%dma_wait3A_132 : memref<62592xf32, #tpu.memory_space<vmem_shared>>)
        tpu.yield
      }) : () -> ()
    } else {
    }
    %eq3A_10 = arith.constant 2 : i32
    %eq3A_11 = arith.cmpi eq, %arg1, %eq3A_10 : i32
    %convert_element_type3A_12 = arith.extui %eq3A_11 : i1 to i32
    %cond3A_13 = arith.constant 0 : i32
    %cond3A_14 = arith.cmpi ne, %convert_element_type3A_12, %cond3A_13 : i32
    scf.if %cond3A_14 {
      "tpu.region"() ({
        %run_scoped3A = tpu.sem_alloc : memref<!tpu.dma_semaphore, #tpu.memory_space<semaphore_mem>>
        %dma_start3A_127 = arith.constant 125184 : i32
        %dma_start3A_128 = tpu.memref_slice %arg9[%dma_start3A_127] : memref<1000000xf32, #tpu.memory_space<vmem_shared>> -> memref<62592xf32, #tpu.memory_space<vmem_shared>>
        %dma_start3A_129 = arith.constant 125184 : i32
        %dma_start3A_130 = tpu.memref_slice %arg3[%dma_start3A_129] : memref<1000000xf32, #tpu.memory_space<hbm>> -> memref<62592xf32, #tpu.memory_space<hbm>>
        tpu.enqueue_dma source(%dma_start3A_130 : memref<62592xf32, #tpu.memory_space<hbm>>) target(%dma_start3A_128 : memref<62592xf32, #tpu.memory_space<vmem_shared>>) target_semaphore(%run_scoped3A : memref<!tpu.dma_semaphore, #tpu.memory_space<semaphore_mem>>)
        %dma_wait3A_131 = arith.constant 125184 : i32
        %dma_wait3A_132 = tpu.memref_slice %arg9[%dma_wait3A_131] : memref<1000000xf32, #tpu.memory_space<vmem_shared>> -> memref<62592xf32, #tpu.memory_space<vmem_shared>>
        %dma_wait3A_133 = arith.constant 125184 : i32
        %dma_wait3A_134 = tpu.memref_slice %arg3[%dma_wait3A_133] : memref<1000000xf32, #tpu.memory_space<hbm>> -> memref<62592xf32, #tpu.memory_space<hbm>>
        tpu.wait_dma2 semaphore(%run_scoped3A : memref<!tpu.dma_semaphore, #tpu.memory_space<semaphore_mem>>) src(%dma_wait3A_134 : memref<62592xf32, #tpu.memory_space<hbm>>) dst(%dma_wait3A_132 : memref<62592xf32, #tpu.memory_space<vmem_shared>>)
        tpu.yield
      }) : () -> ()
    } else {
    }
    %eq3A_15 = arith.constant 3 : i32
    %eq3A_16 = arith.cmpi eq, %arg1, %eq3A_15 : i32
    %convert_element_type3A_17 = arith.extui %eq3A_16 : i1 to i32
    %cond3A_18 = arith.constant 0 : i32
    %cond3A_19 = arith.cmpi ne, %convert_element_type3A_17, %cond3A_18 : i32
    scf.if %cond3A_19 {
      "tpu.region"() ({
        %run_scoped3A = tpu.sem_alloc : memref<!tpu.dma_semaphore, #tpu.memory_space<semaphore_mem>>
        %dma_start3A_127 = arith.constant 187776 : i32
        %dma_start3A_128 = tpu.memref_slice %arg9[%dma_start3A_127] : memref<1000000xf32, #tpu.memory_space<vmem_shared>> -> memref<62592xf32, #tpu.memory_space<vmem_shared>>
        %dma_start3A_129 = arith.constant 187776 : i32
        %dma_start3A_130 = tpu.memref_slice %arg3[%dma_start3A_129] : memref<1000000xf32, #tpu.memory_space<hbm>> -> memref<62592xf32, #tpu.memory_space<hbm>>
        tpu.enqueue_dma source(%dma_start3A_130 : memref<62592xf32, #tpu.memory_space<hbm>>) target(%dma_start3A_128 : memref<62592xf32, #tpu.memory_space<vmem_shared>>) target_semaphore(%run_scoped3A : memref<!tpu.dma_semaphore, #tpu.memory_space<semaphore_mem>>)
        %dma_wait3A_131 = arith.constant 187776 : i32
        %dma_wait3A_132 = tpu.memref_slice %arg9[%dma_wait3A_131] : memref<1000000xf32, #tpu.memory_space<vmem_shared>> -> memref<62592xf32, #tpu.memory_space<vmem_shared>>
        %dma_wait3A_133 = arith.constant 187776 : i32
        %dma_wait3A_134 = tpu.memref_slice %arg3[%dma_wait3A_133] : memref<1000000xf32, #tpu.memory_space<hbm>> -> memref<62592xf32, #tpu.memory_space<hbm>>
        tpu.wait_dma2 semaphore(%run_scoped3A : memref<!tpu.dma_semaphore, #tpu.memory_space<semaphore_mem>>) src(%dma_wait3A_134 : memref<62592xf32, #tpu.memory_space<hbm>>) dst(%dma_wait3A_132 : memref<62592xf32, #tpu.memory_space<vmem_shared>>)
        tpu.yield
      }) : () -> ()
    } else {
    }
    %eq3A_20 = arith.constant 4 : i32
    %eq3A_21 = arith.cmpi eq, %arg1, %eq3A_20 : i32
    %convert_element_type3A_22 = arith.extui %eq3A_21 : i1 to i32
    %cond3A_23 = arith.constant 0 : i32
    %cond3A_24 = arith.cmpi ne, %convert_element_type3A_22, %cond3A_23 : i32
    scf.if %cond3A_24 {
      "tpu.region"() ({
        %run_scoped3A = tpu.sem_alloc : memref<!tpu.dma_semaphore, #tpu.memory_space<semaphore_mem>>
        %dma_start3A_127 = arith.constant 250368 : i32
        %dma_start3A_128 = tpu.memref_slice %arg9[%dma_start3A_127] : memref<1000000xf32, #tpu.memory_space<vmem_shared>> -> memref<62464xf32, #tpu.memory_space<vmem_shared>>
        %dma_start3A_129 = arith.constant 250368 : i32
        %dma_start3A_130 = tpu.memref_slice %arg3[%dma_start3A_129] : memref<1000000xf32, #tpu.memory_space<hbm>> -> memref<62464xf32, #tpu.memory_space<hbm>>
        tpu.enqueue_dma source(%dma_start3A_130 : memref<62464xf32, #tpu.memory_space<hbm>>) target(%dma_start3A_128 : memref<62464xf32, #tpu.memory_space<vmem_shared>>) target_semaphore(%run_scoped3A : memref<!tpu.dma_semaphore, #tpu.memory_space<semaphore_mem>>)
        %dma_wait3A_131 = arith.constant 250368 : i32
        %dma_wait3A_132 = tpu.memref_slice %arg9[%dma_wait3A_131] : memref<1000000xf32, #tpu.memory_space<vmem_shared>> -> memref<62464xf32, #tpu.memory_space<vmem_shared>>
        %dma_wait3A_133 = arith.constant 250368 : i32
        %dma_wait3A_134 = tpu.memref_slice %arg3[%dma_wait3A_133] : memref<1000000xf32, #tpu.memory_space<hbm>> -> memref<62464xf32, #tpu.memory_space<hbm>>
        tpu.wait_dma2 semaphore(%run_scoped3A : memref<!tpu.dma_semaphore, #tpu.memory_space<semaphore_mem>>) src(%dma_wait3A_134 : memref<62464xf32, #tpu.memory_space<hbm>>) dst(%dma_wait3A_132 : memref<62464xf32, #tpu.memory_space<vmem_shared>>)
        tpu.yield
      }) : () -> ()
    } else {
    }
    %eq3A_25 = arith.constant 5 : i32
    %eq3A_26 = arith.cmpi eq, %arg1, %eq3A_25 : i32
    %convert_element_type3A_27 = arith.extui %eq3A_26 : i1 to i32
    %cond3A_28 = arith.constant 0 : i32
    %cond3A_29 = arith.cmpi ne, %convert_element_type3A_27, %cond3A_28 : i32
    scf.if %cond3A_29 {
      "tpu.region"() ({
        %run_scoped3A = tpu.sem_alloc : memref<!tpu.dma_semaphore, #tpu.memory_space<semaphore_mem>>
        %dma_start3A_127 = arith.constant 312832 : i32
        %dma_start3A_128 = tpu.memref_slice %arg9[%dma_start3A_127] : memref<1000000xf32, #tpu.memory_space<vmem_shared>> -> memref<62464xf32, #tpu.memory_space<vmem_shared>>
        %dma_start3A_129 = arith.constant 312832 : i32
        %dma_start3A_130 = tpu.memref_slice %arg3[%dma_start3A_129] : memref<1000000xf32, #tpu.memory_space<hbm>> -> memref<62464xf32, #tpu.memory_space<hbm>>
        tpu.enqueue_dma source(%dma_start3A_130 : memref<62464xf32, #tpu.memory_space<hbm>>) target(%dma_start3A_128 : memref<62464xf32, #tpu.memory_space<vmem_shared>>) target_semaphore(%run_scoped3A : memref<!tpu.dma_semaphore, #tpu.memory_space<semaphore_mem>>)
        %dma_wait3A_131 = arith.constant 312832 : i32
        %dma_wait3A_132 = tpu.memref_slice %arg9[%dma_wait3A_131] : memref<1000000xf32, #tpu.memory_space<vmem_shared>> -> memref<62464xf32, #tpu.memory_space<vmem_shared>>
        %dma_wait3A_133 = arith.constant 312832 : i32
        %dma_wait3A_134 = tpu.memref_slice %arg3[%dma_wait3A_133] : memref<1000000xf32, #tpu.memory_space<hbm>> -> memref<62464xf32, #tpu.memory_space<hbm>>
        tpu.wait_dma2 semaphore(%run_scoped3A : memref<!tpu.dma_semaphore, #tpu.memory_space<semaphore_mem>>) src(%dma_wait3A_134 : memref<62464xf32, #tpu.memory_space<hbm>>) dst(%dma_wait3A_132 : memref<62464xf32, #tpu.memory_space<vmem_shared>>)
        tpu.yield
      }) : () -> ()
    } else {
    }
    %eq3A_30 = arith.constant 6 : i32
    %eq3A_31 = arith.cmpi eq, %arg1, %eq3A_30 : i32
    %convert_element_type3A_32 = arith.extui %eq3A_31 : i1 to i32
    %cond3A_33 = arith.constant 0 : i32
    %cond3A_34 = arith.cmpi ne, %convert_element_type3A_32, %cond3A_33 : i32
    scf.if %cond3A_34 {
      "tpu.region"() ({
        %run_scoped3A = tpu.sem_alloc : memref<!tpu.dma_semaphore, #tpu.memory_space<semaphore_mem>>
        %dma_start3A_127 = arith.constant 375296 : i32
        %dma_start3A_128 = tpu.memref_slice %arg9[%dma_start3A_127] : memref<1000000xf32, #tpu.memory_space<vmem_shared>> -> memref<62464xf32, #tpu.memory_space<vmem_shared>>
        %dma_start3A_129 = arith.constant 375296 : i32
        %dma_start3A_130 = tpu.memref_slice %arg3[%dma_start3A_129] : memref<1000000xf32, #tpu.memory_space<hbm>> -> memref<62464xf32, #tpu.memory_space<hbm>>
        tpu.enqueue_dma source(%dma_start3A_130 : memref<62464xf32, #tpu.memory_space<hbm>>) target(%dma_start3A_128 : memref<62464xf32, #tpu.memory_space<vmem_shared>>) target_semaphore(%run_scoped3A : memref<!tpu.dma_semaphore, #tpu.memory_space<semaphore_mem>>)
        %dma_wait3A_131 = arith.constant 375296 : i32
        %dma_wait3A_132 = tpu.memref_slice %arg9[%dma_wait3A_131] : memref<1000000xf32, #tpu.memory_space<vmem_shared>> -> memref<62464xf32, #tpu.memory_space<vmem_shared>>
        %dma_wait3A_133 = arith.constant 375296 : i32
        %dma_wait3A_134 = tpu.memref_slice %arg3[%dma_wait3A_133] : memref<1000000xf32, #tpu.memory_space<hbm>> -> memref<62464xf32, #tpu.memory_space<hbm>>
        tpu.wait_dma2 semaphore(%run_scoped3A : memref<!tpu.dma_semaphore, #tpu.memory_space<semaphore_mem>>) src(%dma_wait3A_134 : memref<62464xf32, #tpu.memory_space<hbm>>) dst(%dma_wait3A_132 : memref<62464xf32, #tpu.memory_space<vmem_shared>>)
        tpu.yield
      }) : () -> ()
    } else {
    }
    %eq3A_35 = arith.constant 7 : i32
    %eq3A_36 = arith.cmpi eq, %arg1, %eq3A_35 : i32
    %convert_element_type3A_37 = arith.extui %eq3A_36 : i1 to i32
    %cond3A_38 = arith.constant 0 : i32
    %cond3A_39 = arith.cmpi ne, %convert_element_type3A_37, %cond3A_38 : i32
    scf.if %cond3A_39 {
      "tpu.region"() ({
        %run_scoped3A = tpu.sem_alloc : memref<!tpu.dma_semaphore, #tpu.memory_space<semaphore_mem>>
        %dma_start3A_127 = arith.constant 437760 : i32
        %dma_start3A_128 = tpu.memref_slice %arg9[%dma_start3A_127] : memref<1000000xf32, #tpu.memory_space<vmem_shared>> -> memref<62464xf32, #tpu.memory_space<vmem_shared>>
        %dma_start3A_129 = arith.constant 437760 : i32
        %dma_start3A_130 = tpu.memref_slice %arg3[%dma_start3A_129] : memref<1000000xf32, #tpu.memory_space<hbm>> -> memref<62464xf32, #tpu.memory_space<hbm>>
        tpu.enqueue_dma source(%dma_start3A_130 : memref<62464xf32, #tpu.memory_space<hbm>>) target(%dma_start3A_128 : memref<62464xf32, #tpu.memory_space<vmem_shared>>) target_semaphore(%run_scoped3A : memref<!tpu.dma_semaphore, #tpu.memory_space<semaphore_mem>>)
        %dma_wait3A_131 = arith.constant 437760 : i32
        %dma_wait3A_132 = tpu.memref_slice %arg9[%dma_wait3A_131] : memref<1000000xf32, #tpu.memory_space<vmem_shared>> -> memref<62464xf32, #tpu.memory_space<vmem_shared>>
        %dma_wait3A_133 = arith.constant 437760 : i32
        %dma_wait3A_134 = tpu.memref_slice %arg3[%dma_wait3A_133] : memref<1000000xf32, #tpu.memory_space<hbm>> -> memref<62464xf32, #tpu.memory_space<hbm>>
        tpu.wait_dma2 semaphore(%run_scoped3A : memref<!tpu.dma_semaphore, #tpu.memory_space<semaphore_mem>>) src(%dma_wait3A_134 : memref<62464xf32, #tpu.memory_space<hbm>>) dst(%dma_wait3A_132 : memref<62464xf32, #tpu.memory_space<vmem_shared>>)
        tpu.yield
      }) : () -> ()
    } else {
    }
    %eq3A_40 = arith.constant 8 : i32
    %eq3A_41 = arith.cmpi eq, %arg1, %eq3A_40 : i32
    %convert_element_type3A_42 = arith.extui %eq3A_41 : i1 to i32
    %cond3A_43 = arith.constant 0 : i32
    %cond3A_44 = arith.cmpi ne, %convert_element_type3A_42, %cond3A_43 : i32
    scf.if %cond3A_44 {
      "tpu.region"() ({
        %run_scoped3A = tpu.sem_alloc : memref<!tpu.dma_semaphore, #tpu.memory_space<semaphore_mem>>
        %dma_start3A_127 = arith.constant 500224 : i32
        %dma_start3A_128 = tpu.memref_slice %arg9[%dma_start3A_127] : memref<1000000xf32, #tpu.memory_space<vmem_shared>> -> memref<62464xf32, #tpu.memory_space<vmem_shared>>
        %dma_start3A_129 = arith.constant 500224 : i32
        %dma_start3A_130 = tpu.memref_slice %arg3[%dma_start3A_129] : memref<1000000xf32, #tpu.memory_space<hbm>> -> memref<62464xf32, #tpu.memory_space<hbm>>
        tpu.enqueue_dma source(%dma_start3A_130 : memref<62464xf32, #tpu.memory_space<hbm>>) target(%dma_start3A_128 : memref<62464xf32, #tpu.memory_space<vmem_shared>>) target_semaphore(%run_scoped3A : memref<!tpu.dma_semaphore, #tpu.memory_space<semaphore_mem>>)
        %dma_wait3A_131 = arith.constant 500224 : i32
        %dma_wait3A_132 = tpu.memref_slice %arg9[%dma_wait3A_131] : memref<1000000xf32, #tpu.memory_space<vmem_shared>> -> memref<62464xf32, #tpu.memory_space<vmem_shared>>
        %dma_wait3A_133 = arith.constant 500224 : i32
        %dma_wait3A_134 = tpu.memref_slice %arg3[%dma_wait3A_133] : memref<1000000xf32, #tpu.memory_space<hbm>> -> memref<62464xf32, #tpu.memory_space<hbm>>
        tpu.wait_dma2 semaphore(%run_scoped3A : memref<!tpu.dma_semaphore, #tpu.memory_space<semaphore_mem>>) src(%dma_wait3A_134 : memref<62464xf32, #tpu.memory_space<hbm>>) dst(%dma_wait3A_132 : memref<62464xf32, #tpu.memory_space<vmem_shared>>)
        tpu.yield
      }) : () -> ()
    } else {
    }
    %eq3A_45 = arith.constant 9 : i32
    %eq3A_46 = arith.cmpi eq, %arg1, %eq3A_45 : i32
    %convert_element_type3A_47 = arith.extui %eq3A_46 : i1 to i32
    %cond3A_48 = arith.constant 0 : i32
    %cond3A_49 = arith.cmpi ne, %convert_element_type3A_47, %cond3A_48 : i32
    scf.if %cond3A_49 {
      "tpu.region"() ({
        %run_scoped3A = tpu.sem_alloc : memref<!tpu.dma_semaphore, #tpu.memory_space<semaphore_mem>>
        %dma_start3A_127 = arith.constant 562688 : i32
        %dma_start3A_128 = tpu.memref_slice %arg9[%dma_start3A_127] : memref<1000000xf32, #tpu.memory_space<vmem_shared>> -> memref<62464xf32, #tpu.memory_space<vmem_shared>>
        %dma_start3A_129 = arith.constant 562688 : i32
        %dma_start3A_130 = tpu.memref_slice %arg3[%dma_start3A_129] : memref<1000000xf32, #tpu.memory_space<hbm>> -> memref<62464xf32, #tpu.memory_space<hbm>>
        tpu.enqueue_dma source(%dma_start3A_130 : memref<62464xf32, #tpu.memory_space<hbm>>) target(%dma_start3A_128 : memref<62464xf32, #tpu.memory_space<vmem_shared>>) target_semaphore(%run_scoped3A : memref<!tpu.dma_semaphore, #tpu.memory_space<semaphore_mem>>)
        %dma_wait3A_131 = arith.constant 562688 : i32
        %dma_wait3A_132 = tpu.memref_slice %arg9[%dma_wait3A_131] : memref<1000000xf32, #tpu.memory_space<vmem_shared>> -> memref<62464xf32, #tpu.memory_space<vmem_shared>>
        %dma_wait3A_133 = arith.constant 562688 : i32
        %dma_wait3A_134 = tpu.memref_slice %arg3[%dma_wait3A_133] : memref<1000000xf32, #tpu.memory_space<hbm>> -> memref<62464xf32, #tpu.memory_space<hbm>>
        tpu.wait_dma2 semaphore(%run_scoped3A : memref<!tpu.dma_semaphore, #tpu.memory_space<semaphore_mem>>) src(%dma_wait3A_134 : memref<62464xf32, #tpu.memory_space<hbm>>) dst(%dma_wait3A_132 : memref<62464xf32, #tpu.memory_space<vmem_shared>>)
        tpu.yield
      }) : () -> ()
    } else {
    }
    %eq3A_50 = arith.constant 10 : i32
    %eq3A_51 = arith.cmpi eq, %arg1, %eq3A_50 : i32
    %convert_element_type3A_52 = arith.extui %eq3A_51 : i1 to i32
    %cond3A_53 = arith.constant 0 : i32
    %cond3A_54 = arith.cmpi ne, %convert_element_type3A_52, %cond3A_53 : i32
    scf.if %cond3A_54 {
      "tpu.region"() ({
        %run_scoped3A = tpu.sem_alloc : memref<!tpu.dma_semaphore, #tpu.memory_space<semaphore_mem>>
        %dma_start3A_127 = arith.constant 625152 : i32
        %dma_start3A_128 = tpu.memref_slice %arg9[%dma_start3A_127] : memref<1000000xf32, #tpu.memory_space<vmem_shared>> -> memref<62464xf32, #tpu.memory_space<vmem_shared>>
        %dma_start3A_129 = arith.constant 625152 : i32
        %dma_start3A_130 = tpu.memref_slice %arg3[%dma_start3A_129] : memref<1000000xf32, #tpu.memory_space<hbm>> -> memref<62464xf32, #tpu.memory_space<hbm>>
        tpu.enqueue_dma source(%dma_start3A_130 : memref<62464xf32, #tpu.memory_space<hbm>>) target(%dma_start3A_128 : memref<62464xf32, #tpu.memory_space<vmem_shared>>) target_semaphore(%run_scoped3A : memref<!tpu.dma_semaphore, #tpu.memory_space<semaphore_mem>>)
        %dma_wait3A_131 = arith.constant 625152 : i32
        %dma_wait3A_132 = tpu.memref_slice %arg9[%dma_wait3A_131] : memref<1000000xf32, #tpu.memory_space<vmem_shared>> -> memref<62464xf32, #tpu.memory_space<vmem_shared>>
        %dma_wait3A_133 = arith.constant 625152 : i32
        %dma_wait3A_134 = tpu.memref_slice %arg3[%dma_wait3A_133] : memref<1000000xf32, #tpu.memory_space<hbm>> -> memref<62464xf32, #tpu.memory_space<hbm>>
        tpu.wait_dma2 semaphore(%run_scoped3A : memref<!tpu.dma_semaphore, #tpu.memory_space<semaphore_mem>>) src(%dma_wait3A_134 : memref<62464xf32, #tpu.memory_space<hbm>>) dst(%dma_wait3A_132 : memref<62464xf32, #tpu.memory_space<vmem_shared>>)
        tpu.yield
      }) : () -> ()
    } else {
    }
    %eq3A_55 = arith.constant 11 : i32
    %eq3A_56 = arith.cmpi eq, %arg1, %eq3A_55 : i32
    %convert_element_type3A_57 = arith.extui %eq3A_56 : i1 to i32
    %cond3A_58 = arith.constant 0 : i32
    %cond3A_59 = arith.cmpi ne, %convert_element_type3A_57, %cond3A_58 : i32
    scf.if %cond3A_59 {
      "tpu.region"() ({
        %run_scoped3A = tpu.sem_alloc : memref<!tpu.dma_semaphore, #tpu.memory_space<semaphore_mem>>
        %dma_start3A_127 = arith.constant 687616 : i32
        %dma_start3A_128 = tpu.memref_slice %arg9[%dma_start3A_127] : memref<1000000xf32, #tpu.memory_space<vmem_shared>> -> memref<62464xf32, #tpu.memory_space<vmem_shared>>
        %dma_start3A_129 = arith.constant 687616 : i32
        %dma_start3A_130 = tpu.memref_slice %arg3[%dma_start3A_129] : memref<1000000xf32, #tpu.memory_space<hbm>> -> memref<62464xf32, #tpu.memory_space<hbm>>
        tpu.enqueue_dma source(%dma_start3A_130 : memref<62464xf32, #tpu.memory_space<hbm>>) target(%dma_start3A_128 : memref<62464xf32, #tpu.memory_space<vmem_shared>>) target_semaphore(%run_scoped3A : memref<!tpu.dma_semaphore, #tpu.memory_space<semaphore_mem>>)
        %dma_wait3A_131 = arith.constant 687616 : i32
        %dma_wait3A_132 = tpu.memref_slice %arg9[%dma_wait3A_131] : memref<1000000xf32, #tpu.memory_space<vmem_shared>> -> memref<62464xf32, #tpu.memory_space<vmem_shared>>
        %dma_wait3A_133 = arith.constant 687616 : i32
        %dma_wait3A_134 = tpu.memref_slice %arg3[%dma_wait3A_133] : memref<1000000xf32, #tpu.memory_space<hbm>> -> memref<62464xf32, #tpu.memory_space<hbm>>
        tpu.wait_dma2 semaphore(%run_scoped3A : memref<!tpu.dma_semaphore, #tpu.memory_space<semaphore_mem>>) src(%dma_wait3A_134 : memref<62464xf32, #tpu.memory_space<hbm>>) dst(%dma_wait3A_132 : memref<62464xf32, #tpu.memory_space<vmem_shared>>)
        tpu.yield
      }) : () -> ()
    } else {
    }
    %eq3A_60 = arith.constant 12 : i32
    %eq3A_61 = arith.cmpi eq, %arg1, %eq3A_60 : i32
    %convert_element_type3A_62 = arith.extui %eq3A_61 : i1 to i32
    %cond3A_63 = arith.constant 0 : i32
    %cond3A_64 = arith.cmpi ne, %convert_element_type3A_62, %cond3A_63 : i32
    scf.if %cond3A_64 {
      "tpu.region"() ({
        %run_scoped3A = tpu.sem_alloc : memref<!tpu.dma_semaphore, #tpu.memory_space<semaphore_mem>>
        %dma_start3A_127 = arith.constant 750080 : i32
        %dma_start3A_128 = tpu.memref_slice %arg9[%dma_start3A_127] : memref<1000000xf32, #tpu.memory_space<vmem_shared>> -> memref<62464xf32, #tpu.memory_space<vmem_shared>>
        %dma_start3A_129 = arith.constant 750080 : i32
        %dma_start3A_130 = tpu.memref_slice %arg3[%dma_start3A_129] : memref<1000000xf32, #tpu.memory_space<hbm>> -> memref<62464xf32, #tpu.memory_space<hbm>>
        tpu.enqueue_dma source(%dma_start3A_130 : memref<62464xf32, #tpu.memory_space<hbm>>) target(%dma_start3A_128 : memref<62464xf32, #tpu.memory_space<vmem_shared>>) target_semaphore(%run_scoped3A : memref<!tpu.dma_semaphore, #tpu.memory_space<semaphore_mem>>)
        %dma_wait3A_131 = arith.constant 750080 : i32
        %dma_wait3A_132 = tpu.memref_slice %arg9[%dma_wait3A_131] : memref<1000000xf32, #tpu.memory_space<vmem_shared>> -> memref<62464xf32, #tpu.memory_space<vmem_shared>>
        %dma_wait3A_133 = arith.constant 750080 : i32
        %dma_wait3A_134 = tpu.memref_slice %arg3[%dma_wait3A_133] : memref<1000000xf32, #tpu.memory_space<hbm>> -> memref<62464xf32, #tpu.memory_space<hbm>>
        tpu.wait_dma2 semaphore(%run_scoped3A : memref<!tpu.dma_semaphore, #tpu.memory_space<semaphore_mem>>) src(%dma_wait3A_134 : memref<62464xf32, #tpu.memory_space<hbm>>) dst(%dma_wait3A_132 : memref<62464xf32, #tpu.memory_space<vmem_shared>>)
        tpu.yield
      }) : () -> ()
    } else {
    }
    %eq3A_65 = arith.constant 13 : i32
    %eq3A_66 = arith.cmpi eq, %arg1, %eq3A_65 : i32
    %convert_element_type3A_67 = arith.extui %eq3A_66 : i1 to i32
    %cond3A_68 = arith.constant 0 : i32
    %cond3A_69 = arith.cmpi ne, %convert_element_type3A_67, %cond3A_68 : i32
    scf.if %cond3A_69 {
      "tpu.region"() ({
        %run_scoped3A = tpu.sem_alloc : memref<!tpu.dma_semaphore, #tpu.memory_space<semaphore_mem>>
        %dma_start3A_127 = arith.constant 812544 : i32
        %dma_start3A_128 = tpu.memref_slice %arg9[%dma_start3A_127] : memref<1000000xf32, #tpu.memory_space<vmem_shared>> -> memref<62464xf32, #tpu.memory_space<vmem_shared>>
        %dma_start3A_129 = arith.constant 812544 : i32
        %dma_start3A_130 = tpu.memref_slice %arg3[%dma_start3A_129] : memref<1000000xf32, #tpu.memory_space<hbm>> -> memref<62464xf32, #tpu.memory_space<hbm>>
        tpu.enqueue_dma source(%dma_start3A_130 : memref<62464xf32, #tpu.memory_space<hbm>>) target(%dma_start3A_128 : memref<62464xf32, #tpu.memory_space<vmem_shared>>) target_semaphore(%run_scoped3A : memref<!tpu.dma_semaphore, #tpu.memory_space<semaphore_mem>>)
        %dma_wait3A_131 = arith.constant 812544 : i32
        %dma_wait3A_132 = tpu.memref_slice %arg9[%dma_wait3A_131] : memref<1000000xf32, #tpu.memory_space<vmem_shared>> -> memref<62464xf32, #tpu.memory_space<vmem_shared>>
        %dma_wait3A_133 = arith.constant 812544 : i32
        %dma_wait3A_134 = tpu.memref_slice %arg3[%dma_wait3A_133] : memref<1000000xf32, #tpu.memory_space<hbm>> -> memref<62464xf32, #tpu.memory_space<hbm>>
        tpu.wait_dma2 semaphore(%run_scoped3A : memref<!tpu.dma_semaphore, #tpu.memory_space<semaphore_mem>>) src(%dma_wait3A_134 : memref<62464xf32, #tpu.memory_space<hbm>>) dst(%dma_wait3A_132 : memref<62464xf32, #tpu.memory_space<vmem_shared>>)
        tpu.yield
      }) : () -> ()
    } else {
    }
    %eq3A_70 = arith.constant 14 : i32
    %eq3A_71 = arith.cmpi eq, %arg1, %eq3A_70 : i32
    %convert_element_type3A_72 = arith.extui %eq3A_71 : i1 to i32
    %cond3A_73 = arith.constant 0 : i32
    %cond3A_74 = arith.cmpi ne, %convert_element_type3A_72, %cond3A_73 : i32
    scf.if %cond3A_74 {
      "tpu.region"() ({
        %run_scoped3A = tpu.sem_alloc : memref<!tpu.dma_semaphore, #tpu.memory_space<semaphore_mem>>
        %dma_start3A_127 = arith.constant 875008 : i32
        %dma_start3A_128 = tpu.memref_slice %arg9[%dma_start3A_127] : memref<1000000xf32, #tpu.memory_space<vmem_shared>> -> memref<62464xf32, #tpu.memory_space<vmem_shared>>
        %dma_start3A_129 = arith.constant 875008 : i32
        %dma_start3A_130 = tpu.memref_slice %arg3[%dma_start3A_129] : memref<1000000xf32, #tpu.memory_space<hbm>> -> memref<62464xf32, #tpu.memory_space<hbm>>
        tpu.enqueue_dma source(%dma_start3A_130 : memref<62464xf32, #tpu.memory_space<hbm>>) target(%dma_start3A_128 : memref<62464xf32, #tpu.memory_space<vmem_shared>>) target_semaphore(%run_scoped3A : memref<!tpu.dma_semaphore, #tpu.memory_space<semaphore_mem>>)
        %dma_wait3A_131 = arith.constant 875008 : i32
        %dma_wait3A_132 = tpu.memref_slice %arg9[%dma_wait3A_131] : memref<1000000xf32, #tpu.memory_space<vmem_shared>> -> memref<62464xf32, #tpu.memory_space<vmem_shared>>
        %dma_wait3A_133 = arith.constant 875008 : i32
        %dma_wait3A_134 = tpu.memref_slice %arg3[%dma_wait3A_133] : memref<1000000xf32, #tpu.memory_space<hbm>> -> memref<62464xf32, #tpu.memory_space<hbm>>
        tpu.wait_dma2 semaphore(%run_scoped3A : memref<!tpu.dma_semaphore, #tpu.memory_space<semaphore_mem>>) src(%dma_wait3A_134 : memref<62464xf32, #tpu.memory_space<hbm>>) dst(%dma_wait3A_132 : memref<62464xf32, #tpu.memory_space<vmem_shared>>)
        tpu.yield
      }) : () -> ()
    } else {
    }
    %eq3A_75 = arith.constant 15 : i32
    %eq3A_76 = arith.cmpi eq, %arg1, %eq3A_75 : i32
    %convert_element_type3A_77 = arith.extui %eq3A_76 : i1 to i32
    %cond3A_78 = arith.constant 0 : i32
    %cond3A_79 = arith.cmpi ne, %convert_element_type3A_77, %cond3A_78 : i32
    scf.if %cond3A_79 {
      "tpu.region"() ({
        %run_scoped3A = tpu.sem_alloc : memref<!tpu.dma_semaphore, #tpu.memory_space<semaphore_mem>>
        %dma_start3A_127 = arith.constant 937472 : i32
        %dma_start3A_128 = tpu.memref_slice %arg9[%dma_start3A_127] : memref<1000000xf32, #tpu.memory_space<vmem_shared>> -> memref<62464xf32, #tpu.memory_space<vmem_shared>>
        %dma_start3A_129 = arith.constant 937472 : i32
        %dma_start3A_130 = tpu.memref_slice %arg3[%dma_start3A_129] : memref<1000000xf32, #tpu.memory_space<hbm>> -> memref<62464xf32, #tpu.memory_space<hbm>>
        tpu.enqueue_dma source(%dma_start3A_130 : memref<62464xf32, #tpu.memory_space<hbm>>) target(%dma_start3A_128 : memref<62464xf32, #tpu.memory_space<vmem_shared>>) target_semaphore(%run_scoped3A : memref<!tpu.dma_semaphore, #tpu.memory_space<semaphore_mem>>)
        %dma_wait3A_131 = arith.constant 937472 : i32
        %dma_wait3A_132 = tpu.memref_slice %arg9[%dma_wait3A_131] : memref<1000000xf32, #tpu.memory_space<vmem_shared>> -> memref<62464xf32, #tpu.memory_space<vmem_shared>>
        %dma_wait3A_133 = arith.constant 937472 : i32
        %dma_wait3A_134 = tpu.memref_slice %arg3[%dma_wait3A_133] : memref<1000000xf32, #tpu.memory_space<hbm>> -> memref<62464xf32, #tpu.memory_space<hbm>>
        tpu.wait_dma2 semaphore(%run_scoped3A : memref<!tpu.dma_semaphore, #tpu.memory_space<semaphore_mem>>) src(%dma_wait3A_134 : memref<62464xf32, #tpu.memory_space<hbm>>) dst(%dma_wait3A_132 : memref<62464xf32, #tpu.memory_space<vmem_shared>>)
        tpu.yield
      }) : () -> ()
    } else {
    }
    %eq3A_80 = arith.constant 0 : i32
    %eq3A_81 = arith.cmpi eq, %arg1, %eq3A_80 : i32
    %convert_element_type3A_82 = arith.extui %eq3A_81 : i1 to i32
    %cond3A_83 = arith.constant 0 : i32
    %cond3A_84 = arith.cmpi ne, %convert_element_type3A_82, %cond3A_83 : i32
    scf.if %cond3A_84 {
      %iota3A = tpu.iota {dimensions = array<i32: 0>} : vector<16xi32>
      %add3A_127 = arith.constant 999936 : i32
      %add3A_128 = vector.broadcast %add3A_127 : i32 to vector<16xi32>
      %add3A_129 = arith.addi %iota3A, %add3A_128 : vector<16xi32>
      %swap3A = arith.constant 0 : index
      %swap3A_130 = tpu.vector_load %arg7[%swap3A] {strides = array<i32>} : memref<64xi32, #tpu.memory_space<vmem>>, vector<16xi32>,
      %swap3A_131 = vector.shape_cast %swap3A_130 : vector<16xi32> to vector<16xi32>
      %swap3A_132 = vector.shape_cast %add3A_129 : vector<16xi32> to vector<16xi32>
      tpu.vector_store %arg7[%swap3A], %swap3A_132 {strides = array<i32>} : memref<64xi32, #tpu.memory_space<vmem>>, vector<16xi32>,
      %iota3A_133 = tpu.iota {dimensions = array<i32: 0>} : vector<16xi32>
      %add3A_134 = arith.constant 999952 : i32
      %add3A_135 = vector.broadcast %add3A_134 : i32 to vector<16xi32>
      %add3A_136 = arith.addi %iota3A_133, %add3A_135 : vector<16xi32>
      %swap3A_137 = arith.constant 16 : index
      %swap3A_138 = tpu.vector_load %arg7[%swap3A_137] {strides = array<i32>} : memref<64xi32, #tpu.memory_space<vmem>>, vector<16xi32>,
      %swap3A_139 = vector.shape_cast %swap3A_138 : vector<16xi32> to vector<16xi32>
      %swap3A_140 = vector.shape_cast %add3A_136 : vector<16xi32> to vector<16xi32>
      tpu.vector_store %arg7[%swap3A_137], %swap3A_140 {strides = array<i32>} : memref<64xi32, #tpu.memory_space<vmem>>, vector<16xi32>,
      %iota3A_141 = tpu.iota {dimensions = array<i32: 0>} : vector<16xi32>
      %add3A_142 = arith.constant 999968 : i32
      %add3A_143 = vector.broadcast %add3A_142 : i32 to vector<16xi32>
      %add3A_144 = arith.addi %iota3A_141, %add3A_143 : vector<16xi32>
      %swap3A_145 = arith.constant 32 : index
      %swap3A_146 = tpu.vector_load %arg7[%swap3A_145] {strides = array<i32>} : memref<64xi32, #tpu.memory_space<vmem>>, vector<16xi32>,
      %swap3A_147 = vector.shape_cast %swap3A_146 : vector<16xi32> to vector<16xi32>
      %swap3A_148 = vector.shape_cast %add3A_144 : vector<16xi32> to vector<16xi32>
      tpu.vector_store %arg7[%swap3A_145], %swap3A_148 {strides = array<i32>} : memref<64xi32, #tpu.memory_space<vmem>>, vector<16xi32>,
      %iota3A_149 = tpu.iota {dimensions = array<i32: 0>} : vector<16xi32>
      %add3A_150 = arith.constant 999984 : i32
      %add3A_151 = vector.broadcast %add3A_150 : i32 to vector<16xi32>
      %add3A_152 = arith.addi %iota3A_149, %add3A_151 : vector<16xi32>
      %swap3A_153 = arith.constant 48 : index
      %swap3A_154 = tpu.vector_load %arg7[%swap3A_153] {strides = array<i32>} : memref<64xi32, #tpu.memory_space<vmem>>, vector<16xi32>,
      %swap3A_155 = vector.shape_cast %swap3A_154 : vector<16xi32> to vector<16xi32>
      %swap3A_156 = vector.shape_cast %add3A_152 : vector<16xi32> to vector<16xi32>
      tpu.vector_store %arg7[%swap3A_153], %swap3A_156 {strides = array<i32>} : memref<64xi32, #tpu.memory_space<vmem>>, vector<16xi32>,
      %dma_start3A_157 = arith.constant 0 : i32
      %dma_start3A_158 = tpu.memref_slice %arg3[%dma_start3A_157] : memref<1000000xf32, #tpu.memory_space<hbm>> -> memref<1000000xf32, #tpu.memory_space<hbm>>
      tpu.enqueue_indirect_dma source(%dma_start3A_158 : memref<1000000xf32, #tpu.memory_space<hbm>>) target(%arg8 : memref<64xf32, #tpu.memory_space<vmem>>) offsets(%arg7 : memref<64xi32, #tpu.memory_space<vmem>>) semaphore(%arg11 : memref<!tpu.dma_semaphore, #tpu.memory_space<semaphore_mem>>)
      %dma_wait3A_159 = arith.constant 0 : i32
      %dma_wait3A_160 = tpu.memref_slice %arg3[%dma_wait3A_159] : memref<1000000xf32, #tpu.memory_space<hbm>> -> memref<1000000xf32, #tpu.memory_space<hbm>>
      tpu.wait_indirect_dma semaphore(%arg11 : memref<!tpu.dma_semaphore, #tpu.memory_space<semaphore_mem>>) src(%dma_wait3A_160 : memref<1000000xf32, #tpu.memory_space<hbm>>) dst(%arg8 : memref<64xf32, #tpu.memory_space<vmem>>)
      %dma_start3A_161 = arith.constant 0 : i32
      %dma_start3A_162 = tpu.memref_slice %arg9[%dma_start3A_161] : memref<1000000xf32, #tpu.memory_space<vmem_shared>> -> memref<1000000xf32, #tpu.memory_space<vmem_shared>>
      tpu.enqueue_indirect_dma source(%arg8 : memref<64xf32, #tpu.memory_space<vmem>>) target(%dma_start3A_162 : memref<1000000xf32, #tpu.memory_space<vmem_shared>>) offsets(%arg7 : memref<64xi32, #tpu.memory_space<vmem>>) semaphore(%arg11 : memref<!tpu.dma_semaphore, #tpu.memory_space<semaphore_mem>>)
      %dma_wait3A_163 = arith.constant 0 : i32
      %dma_wait3A_164 = tpu.memref_slice %arg9[%dma_wait3A_163] : memref<1000000xf32, #tpu.memory_space<vmem_shared>> -> memref<1000000xf32, #tpu.memory_space<vmem_shared>>
      tpu.wait_indirect_dma semaphore(%arg11 : memref<!tpu.dma_semaphore, #tpu.memory_space<semaphore_mem>>) src(%arg8 : memref<64xf32, #tpu.memory_space<vmem>>) dst(%dma_wait3A_164 : memref<1000000xf32, #tpu.memory_space<vmem_shared>>)
    } else {
    }
    %dma_start3A = arith.constant 0 : i32
    %dma_start3A_85 = arith.constant 0 : i32
    %dma_start3A_86 = arith.constant 0 : i32
    %dma_start3A_87 = tpu.memref_slice %arg5[%dma_start3A, %dma_start3A_85, %dma_start3A_86] : memref<2x100x128xi32, #tpu.memory_space<vmem>> -> memref<1x100x128xi32, #tpu.memory_space<vmem>>
    %dma_start3A_88 = tpu.memref_squeeze %dma_start3A_87 : memref<1x100x128xi32, #tpu.memory_space<vmem>> -> memref<100x128xi32, #tpu.memory_space<vmem>>
    %dma_start3A_89 = arith.constant 0 : i32
    %dma_start3A_90 = tpu.memref_slice %arg2[%dma_start3A_89, %mul3A_2] : memref<100x16384xi32, #tpu.memory_space<hbm>> -> memref<100x128xi32, #tpu.memory_space<hbm>>
    %dma_start3A_91 = arith.constant 0 : i32
    %dma_start3A_92 = arith.constant 0 : i32
    %dma_start3A_93 = tpu.memref_slice %arg5[%dma_start3A, %dma_start3A_91, %dma_start3A_92] : memref<2x100x128xi32, #tpu.memory_space<vmem>> -> memref<1x100x128xi32, #tpu.memory_space<vmem>>
    %dma_start3A_94 = tpu.memref_squeeze %dma_start3A_93 : memref<1x100x128xi32, #tpu.memory_space<vmem>> -> memref<100x128xi32, #tpu.memory_space<vmem>>
    %dma_start3A_95 = arith.constant 0 : i32
    %dma_start3A_96 = tpu.memref_slice %arg2[%dma_start3A_95, %mul3A_2] : memref<100x16384xi32, #tpu.memory_space<hbm>> -> memref<100x128xi32, #tpu.memory_space<hbm>>
    tpu.enqueue_dma source(%dma_start3A_96 : memref<100x128xi32, #tpu.memory_space<hbm>>) target(%dma_start3A_94 : memref<100x128xi32, #tpu.memory_space<vmem>>) target_semaphore(%arg11 : memref<!tpu.dma_semaphore, #tpu.memory_space<semaphore_mem>>)
    %barrier3A = arith.constant 0 : index
    tpu.barrier barrier_id(%barrier3A)
    %scan3A = arith.constant 0 : i32
    %scan3A_97 = arith.constant 0 : i32
    %scan3A_98 = arith.constant 4 : i32
    %scan3A_99 = arith.addi %scan3A_97, %scan3A_98 : i32
    %scan3A_100 = arith.constant 1 : i32
    scf.for %scan3A_127 = %scan3A_97 to %scan3A_99 step %scan3A_100  : i32 {
      %rem3A = arith.constant 2 : i32
      %rem3A_128 = arith.remsi %scan3A_127, %rem3A : i32
      %add3A_129 = arith.constant 1 : i32
      %add3A_130 = arith.addi %scan3A_127, %add3A_129 : i32
      %rem3A_131 = arith.constant 2 : i32
      %rem3A_132 = arith.remsi %add3A_130, %rem3A_131 : i32
      %mul3A_133 = arith.constant 128 : i32
      %mul3A_134 = arith.muli %scan3A_127, %mul3A_133 : i32
      %add3A_135 = arith.addi %mul3A_2, %mul3A_134 : i32
      %dma_wait3A_136 = arith.constant 0 : i32
      %dma_wait3A_137 = arith.constant 0 : i32
      %dma_wait3A_138 = tpu.memref_slice %arg5[%rem3A_128, %dma_wait3A_136, %dma_wait3A_137] : memref<2x100x128xi32, #tpu.memory_space<vmem>> -> memref<1x100x128xi32, #tpu.memory_space<vmem>>
      %dma_wait3A_139 = tpu.memref_squeeze %dma_wait3A_138 : memref<1x100x128xi32, #tpu.memory_space<vmem>> -> memref<100x128xi32, #tpu.memory_space<vmem>>
      %dma_wait3A_140 = arith.constant 0 : i32
      %dma_wait3A_141 = tpu.memref_slice %arg2[%dma_wait3A_140, %add3A_135] : memref<100x16384xi32, #tpu.memory_space<hbm>> -> memref<100x128xi32, #tpu.memory_space<hbm>>
      %dma_wait3A_142 = arith.constant 0 : i32
      %dma_wait3A_143 = arith.constant 0 : i32
      %dma_wait3A_144 = tpu.memref_slice %arg5[%rem3A_128, %dma_wait3A_142, %dma_wait3A_143] : memref<2x100x128xi32, #tpu.memory_space<vmem>> -> memref<1x100x128xi32, #tpu.memory_space<vmem>>
      %dma_wait3A_145 = tpu.memref_squeeze %dma_wait3A_144 : memref<1x100x128xi32, #tpu.memory_space<vmem>> -> memref<100x128xi32, #tpu.memory_space<vmem>>
      %dma_wait3A_146 = arith.constant 0 : i32
      %dma_wait3A_147 = tpu.memref_slice %arg2[%dma_wait3A_146, %add3A_135] : memref<100x16384xi32, #tpu.memory_space<hbm>> -> memref<100x128xi32, #tpu.memory_space<hbm>>
      tpu.wait_dma2 semaphore(%arg11 : memref<!tpu.dma_semaphore, #tpu.memory_space<semaphore_mem>>) src(%dma_wait3A_147 : memref<100x128xi32, #tpu.memory_space<hbm>>) dst(%dma_wait3A_145 : memref<100x128xi32, #tpu.memory_space<vmem>>)
      %ge3A = arith.constant 2 : i32
      %ge3A_148 = arith.cmpi sge, %scan3A_127, %ge3A : i32
      %convert_element_type3A_149 = arith.extui %ge3A_148 : i1 to i32
      %cond3A_150 = arith.constant 0 : i32
      %cond3A_151 = arith.cmpi ne, %convert_element_type3A_149, %cond3A_150 : i32
      scf.if %cond3A_151 {
        %dma_wait3A_188 = arith.constant 0 : i32
        %dma_wait3A_189 = arith.constant 0 : i32
        %dma_wait3A_190 = tpu.memref_slice %arg6[%rem3A_128, %dma_wait3A_188, %dma_wait3A_189] : memref<2x100x128xf32, #tpu.memory_space<vmem>> -> memref<1x100x128xf32, #tpu.memory_space<vmem>>
        %dma_wait3A_191 = tpu.memref_squeeze %dma_wait3A_190 : memref<1x100x128xf32, #tpu.memory_space<vmem>> -> memref<100x128xf32, #tpu.memory_space<vmem>>
        %dma_wait3A_192 = arith.constant 0 : i32
        %dma_wait3A_193 = tpu.memref_slice %arg4[%dma_wait3A_192, %mul3A_2] : memref<100x16384xf32, #tpu.memory_space<hbm>> -> memref<100x128xf32, #tpu.memory_space<hbm>>
        %dma_wait3A_194 = arith.constant 0 : i32
        %dma_wait3A_195 = tpu.memref_slice %arg4[%dma_wait3A_194, %mul3A_2] : memref<100x16384xf32, #tpu.memory_space<hbm>> -> memref<100x128xf32, #tpu.memory_space<hbm>>
        %dma_wait3A_196 = arith.constant 0 : i32
        %dma_wait3A_197 = arith.constant 0 : i32
        %dma_wait3A_198 = tpu.memref_slice %arg6[%rem3A_128, %dma_wait3A_196, %dma_wait3A_197] : memref<2x100x128xf32, #tpu.memory_space<vmem>> -> memref<1x100x128xf32, #tpu.memory_space<vmem>>
        %dma_wait3A_199 = tpu.memref_squeeze %dma_wait3A_198 : memref<1x100x128xf32, #tpu.memory_space<vmem>> -> memref<100x128xf32, #tpu.memory_space<vmem>>
        tpu.wait_dma2 semaphore(%arg12 : memref<!tpu.dma_semaphore, #tpu.memory_space<semaphore_mem>>) src(%dma_wait3A_199 : memref<100x128xf32, #tpu.memory_space<vmem>>) dst(%dma_wait3A_195 : memref<100x128xf32, #tpu.memory_space<hbm>>)
      } else {
      }
      %add3A_152 = arith.constant 1 : i32
      %add3A_153 = arith.addi %scan3A_127, %add3A_152 : i32
      %lt3A = arith.constant 4 : i32
      %lt3A_154 = arith.cmpi slt, %add3A_153, %lt3A : i32
      %convert_element_type3A_155 = arith.extui %lt3A_154 : i1 to i32
      %cond3A_156 = arith.constant 0 : i32
      %cond3A_157 = arith.cmpi ne, %convert_element_type3A_155, %cond3A_156 : i32
      scf.if %cond3A_157 {
        %add3A_188 = arith.constant 128 : i32
        %add3A_189 = arith.addi %add3A_135, %add3A_188 : i32
        %dma_start3A_190 = arith.constant 0 : i32
        %dma_start3A_191 = arith.constant 0 : i32
        %dma_start3A_192 = tpu.memref_slice %arg5[%rem3A_132, %dma_start3A_190, %dma_start3A_191] : memref<2x100x128xi32, #tpu.memory_space<vmem>> -> memref<1x100x128xi32, #tpu.memory_space<vmem>>
        %dma_start3A_193 = tpu.memref_squeeze %dma_start3A_192 : memref<1x100x128xi32, #tpu.memory_space<vmem>> -> memref<100x128xi32, #tpu.memory_space<vmem>>
        %dma_start3A_194 = arith.constant 0 : i32
        %dma_start3A_195 = tpu.memref_slice %arg2[%dma_start3A_194, %add3A_189] : memref<100x16384xi32, #tpu.memory_space<hbm>> -> memref<100x128xi32, #tpu.memory_space<hbm>>
        %dma_start3A_196 = arith.constant 0 : i32
        %dma_start3A_197 = arith.constant 0 : i32
        %dma_start3A_198 = tpu.memref_slice %arg5[%rem3A_132, %dma_start3A_196, %dma_start3A_197] : memref<2x100x128xi32, #tpu.memory_space<vmem>> -> memref<1x100x128xi32, #tpu.memory_space<vmem>>
        %dma_start3A_199 = tpu.memref_squeeze %dma_start3A_198 : memref<1x100x128xi32, #tpu.memory_space<vmem>> -> memref<100x128xi32, #tpu.memory_space<vmem>>
        %dma_start3A_200 = arith.constant 0 : i32
        %dma_start3A_201 = tpu.memref_slice %arg2[%dma_start3A_200, %add3A_189] : memref<100x16384xi32, #tpu.memory_space<hbm>> -> memref<100x128xi32, #tpu.memory_space<hbm>>
        tpu.enqueue_dma source(%dma_start3A_201 : memref<100x128xi32, #tpu.memory_space<hbm>>) target(%dma_start3A_199 : memref<100x128xi32, #tpu.memory_space<vmem>>) target_semaphore(%arg11 : memref<!tpu.dma_semaphore, #tpu.memory_space<semaphore_mem>>)
      } else {
      }
      %scan3A_158 = arith.constant 0 : i32
      %scan3A_159 = arith.constant 0 : i32
      %scan3A_160 = arith.constant 100 : i32
      %scan3A_161 = arith.addi %scan3A_159, %scan3A_160 : i32
      %scan3A_162 = arith.constant 1 : i32
      scf.for %scan3A_188 = %scan3A_159 to %scan3A_161 step %scan3A_162  : i32 {
        %dma_start3A_189 = arith.constant 0 : i32
        %dma_start3A_190 = tpu.memref_slice %arg6[%rem3A_128, %scan3A_188, %dma_start3A_189] : memref<2x100x128xf32, #tpu.memory_space<vmem>> -> memref<1x1x128xf32, #tpu.memory_space<vmem>>
        %dma_start3A_191 = tpu.memref_squeeze %dma_start3A_190 : memref<1x1x128xf32, #tpu.memory_space<vmem>> -> memref<128xf32, #tpu.memory_space<vmem>>
        %dma_start3A_192 = arith.constant 0 : i32
        %dma_start3A_193 = tpu.memref_slice %arg5[%rem3A_128, %scan3A_188, %dma_start3A_192] : memref<2x100x128xi32, #tpu.memory_space<vmem>> -> memref<1x1x128xi32, #tpu.memory_space<vmem>>
        %dma_start3A_194 = tpu.memref_squeeze %dma_start3A_193 : memref<1x1x128xi32, #tpu.memory_space<vmem>> -> memref<128xi32, #tpu.memory_space<vmem>>
        %dma_start3A_195 = arith.constant 0 : i32
        %dma_start3A_196 = tpu.memref_slice %arg9[%dma_start3A_195] : memref<1000000xf32, #tpu.memory_space<vmem_shared>> -> memref<1000000xf32, #tpu.memory_space<vmem_shared>>
        tpu.enqueue_indirect_dma source(%dma_start3A_196 : memref<1000000xf32, #tpu.memory_space<vmem_shared>>) target(%dma_start3A_191 : memref<128xf32, #tpu.memory_space<vmem>>) offsets(%dma_start3A_194 : memref<128xi32, #tpu.memory_space<vmem>>) semaphore(%arg10 : memref<!tpu.dma_semaphore, #tpu.memory_space<semaphore_mem>>)
      }
      %scan3A_163 = arith.constant 100 : i32
      %dma_wait3A_164 = arith.constant 0 : i32
      %dma_wait3A_165 = arith.constant 0 : i32
      %dma_wait3A_166 = tpu.memref_slice %arg6[%rem3A_128, %dma_wait3A_164, %dma_wait3A_165] : memref<2x100x128xf32, #tpu.memory_space<vmem>> -> memref<1x100x128xf32, #tpu.memory_space<vmem>>
      %dma_wait3A_167 = tpu.memref_squeeze %dma_wait3A_166 : memref<1x100x128xf32, #tpu.memory_space<vmem>> -> memref<100x128xf32, #tpu.memory_space<vmem>>
      %dma_wait3A_168 = arith.constant 0 : i32
      %dma_wait3A_169 = tpu.memref_slice %arg4[%dma_wait3A_168, %mul3A_2] : memref<100x16384xf32, #tpu.memory_space<hbm>> -> memref<100x128xf32, #tpu.memory_space<hbm>>
      %dma_wait3A_170 = arith.constant 0 : i32
      %dma_wait3A_171 = arith.constant 0 : i32
      %dma_wait3A_172 = tpu.memref_slice %arg6[%rem3A_128, %dma_wait3A_170, %dma_wait3A_171] : memref<2x100x128xf32, #tpu.memory_space<vmem>> -> memref<1x100x128xf32, #tpu.memory_space<vmem>>
      %dma_wait3A_173 = tpu.memref_squeeze %dma_wait3A_172 : memref<1x100x128xf32, #tpu.memory_space<vmem>> -> memref<100x128xf32, #tpu.memory_space<vmem>>
      %dma_wait3A_174 = arith.constant 0 : i32
      %dma_wait3A_175 = tpu.memref_slice %arg4[%dma_wait3A_174, %mul3A_2] : memref<100x16384xf32, #tpu.memory_space<hbm>> -> memref<100x128xf32, #tpu.memory_space<hbm>>
      tpu.wait_dma2 semaphore(%arg10 : memref<!tpu.dma_semaphore, #tpu.memory_space<semaphore_mem>>) src(%dma_wait3A_175 : memref<100x128xf32, #tpu.memory_space<hbm>>) dst(%dma_wait3A_173 : memref<100x128xf32, #tpu.memory_space<vmem>>)
      %dma_start3A_176 = arith.constant 0 : i32
      %dma_start3A_177 = arith.constant 0 : i32
      %dma_start3A_178 = tpu.memref_slice %arg6[%rem3A_128, %dma_start3A_176, %dma_start3A_177] : memref<2x100x128xf32, #tpu.memory_space<vmem>> -> memref<1x100x128xf32, #tpu.memory_space<vmem>>
      %dma_start3A_179 = tpu.memref_squeeze %dma_start3A_178 : memref<1x100x128xf32, #tpu.memory_space<vmem>> -> memref<100x128xf32, #tpu.memory_space<vmem>>
      %dma_start3A_180 = arith.constant 0 : i32
      %dma_start3A_181 = tpu.memref_slice %arg4[%dma_start3A_180, %add3A_135] : memref<100x16384xf32, #tpu.memory_space<hbm>> -> memref<100x128xf32, #tpu.memory_space<hbm>>
      %dma_start3A_182 = arith.constant 0 : i32
      %dma_start3A_183 = tpu.memref_slice %arg4[%dma_start3A_182, %add3A_135] : memref<100x16384xf32, #tpu.memory_space<hbm>> -> memref<100x128xf32, #tpu.memory_space<hbm>>
      %dma_start3A_184 = arith.constant 0 : i32
      %dma_start3A_185 = arith.constant 0 : i32
      %dma_start3A_186 = tpu.memref_slice %arg6[%rem3A_128, %dma_start3A_184, %dma_start3A_185] : memref<2x100x128xf32, #tpu.memory_space<vmem>> -> memref<1x100x128xf32, #tpu.memory_space<vmem>>
      %dma_start3A_187 = tpu.memref_squeeze %dma_start3A_186 : memref<1x100x128xf32, #tpu.memory_space<vmem>> -> memref<100x128xf32, #tpu.memory_space<vmem>>
      tpu.enqueue_dma source(%dma_start3A_187 : memref<100x128xf32, #tpu.memory_space<vmem>>) target(%dma_start3A_183 : memref<100x128xf32, #tpu.memory_space<hbm>>) target_semaphore(%arg12 : memref<!tpu.dma_semaphore, #tpu.memory_space<semaphore_mem>>)
    }
    %scan3A_101 = arith.constant 4 : i32
    %dma_wait3A = arith.constant 0 : i32
    %dma_wait3A_102 = arith.constant 0 : i32
    %dma_wait3A_103 = arith.constant 0 : i32
    %dma_wait3A_104 = tpu.memref_slice %arg6[%dma_wait3A, %dma_wait3A_102, %dma_wait3A_103] : memref<2x100x128xf32, #tpu.memory_space<vmem>> -> memref<1x100x128xf32, #tpu.memory_space<vmem>>
    %dma_wait3A_105 = tpu.memref_squeeze %dma_wait3A_104 : memref<1x100x128xf32, #tpu.memory_space<vmem>> -> memref<100x128xf32, #tpu.memory_space<vmem>>
    %dma_wait3A_106 = arith.constant 0 : i32
    %dma_wait3A_107 = tpu.memref_slice %arg4[%dma_wait3A_106, %mul3A_2] : memref<100x16384xf32, #tpu.memory_space<hbm>> -> memref<100x128xf32, #tpu.memory_space<hbm>>
    %dma_wait3A_108 = arith.constant 0 : i32
    %dma_wait3A_109 = tpu.memref_slice %arg4[%dma_wait3A_108, %mul3A_2] : memref<100x16384xf32, #tpu.memory_space<hbm>> -> memref<100x128xf32, #tpu.memory_space<hbm>>
    %dma_wait3A_110 = arith.constant 0 : i32
    %dma_wait3A_111 = arith.constant 0 : i32
    %dma_wait3A_112 = tpu.memref_slice %arg6[%dma_wait3A, %dma_wait3A_110, %dma_wait3A_111] : memref<2x100x128xf32, #tpu.memory_space<vmem>> -> memref<1x100x128xf32, #tpu.memory_space<vmem>>
    %dma_wait3A_113 = tpu.memref_squeeze %dma_wait3A_112 : memref<1x100x128xf32, #tpu.memory_space<vmem>> -> memref<100x128xf32, #tpu.memory_space<vmem>>
    tpu.wait_dma2 semaphore(%arg12 : memref<!tpu.dma_semaphore, #tpu.memory_space<semaphore_mem>>) src(%dma_wait3A_113 : memref<100x128xf32, #tpu.memory_space<vmem>>) dst(%dma_wait3A_109 : memref<100x128xf32, #tpu.memory_space<hbm>>)
    %dma_wait3A_114 = arith.constant 0 : i32
    %dma_wait3A_115 = arith.constant 0 : i32
    %dma_wait3A_116 = arith.constant 0 : i32
    %dma_wait3A_117 = tpu.memref_slice %arg6[%dma_wait3A_114, %dma_wait3A_115, %dma_wait3A_116] : memref<2x100x128xf32, #tpu.memory_space<vmem>> -> memref<1x100x128xf32, #tpu.memory_space<vmem>>
    %dma_wait3A_118 = tpu.memref_squeeze %dma_wait3A_117 : memref<1x100x128xf32, #tpu.memory_space<vmem>> -> memref<100x128xf32, #tpu.memory_space<vmem>>
    %dma_wait3A_119 = arith.constant 0 : i32
    %dma_wait3A_120 = tpu.memref_slice %arg4[%dma_wait3A_119, %mul3A_2] : memref<100x16384xf32, #tpu.memory_space<hbm>> -> memref<100x128xf32, #tpu.memory_space<hbm>>
    %dma_wait3A_121 = arith.constant 0 : i32
    %dma_wait3A_122 = tpu.memref_slice %arg4[%dma_wait3A_121, %mul3A_2] : memref<100x16384xf32, #tpu.memory_space<hbm>> -> memref<100x128xf32, #tpu.memory_space<hbm>>
    %dma_wait3A_123 = arith.constant 0 : i32
    %dma_wait3A_124 = arith.constant 0 : i32
    %dma_wait3A_125 = tpu.memref_slice %arg6[%dma_wait3A_114, %dma_wait3A_123, %dma_wait3A_124] : memref<2x100x128xf32, #tpu.memory_space<vmem>> -> memref<1x100x128xf32, #tpu.memory_space<vmem>>
    %dma_wait3A_126 = tpu.memref_squeeze %dma_wait3A_125 : memref<1x100x128xf32, #tpu.memory_space<vmem>> -> memref<100x128xf32, #tpu.memory_space<vmem>>
    tpu.wait_dma2 semaphore(%arg12 : memref<!tpu.dma_semaphore, #tpu.memory_space<semaphore_mem>>) src(%dma_wait3A_126 : memref<100x128xf32, #tpu.memory_space<vmem>>) dst(%dma_wait3A_122 : memref<100x128xf32, #tpu.memory_space<hbm>>)
    return
  }
}

</mosaic_0001>

<sc_bundles>
// kernel: kernel.3.cloned.1.call-start
scs
__scs_entry_jumppad:
0x0: {  	(pc) =	sbr.rel $0x88, $3  }
0x1: {  	(tag) =	ssettag $0x0;
	lr =	simm.s32 $0x1  }
0x2: {  	[smem:$0x3F9F] =	sst lr;
	_ =	strace $0xD0000000  }
0x3: {  	_ = 	snop  }
0x4: {  	_ = 	snop  }
0x5: {  	_ = 	snop  }
0x6: {  	_ = 	snop  }
0x7: {  	_ = 	snop  }
__scs_overlays_trampoline_lowered:
0x8: {  	[smem:$0x3FAE] =	sst s0  }
0x9: {  	[smem:$0x3FAF] =	sst s1  }
0xa: {  	[smem:$0x3FB0] =	sst s2  }
0xb: {  	[smem:$0x3FB1] =	sst s3  }
0xc: {  	[smem:$0x3FB2] =	sst s4  }
0xd: {  	[smem:$0x3FB3] =	sst s5  }
0xe: {  	[smem:$0x3FB4] =	sst s6  }
0xf: {  	[smem:$0x3FB5] =	sst s7  }
0x10: {  	[smem:$0x3FB6] =	sst s8  }
0x11: {  	[smem:$0x3FB7] =	sst s9;
	s0 =	simm.s32 @!p0 $0x0  }
0x12: {  	s1 =	sld [smem:$0x3F9D];
	s0 =	simm.s32 @p0 $0x1  }
0x13: {  	[smem:$0x3FB8] =	sst s0;
	s0 =	simm.s32 @!p1 $0x0  }
0x14: {  	s2 =	sld [smem:$0x3F9C];
	s0 =	simm.s32 @p1 $0x1  }
0x15: {  	[smem:$0x3FB9] =	sst s0;
	s0 =	simm.s32 @!p2 $0x0  }
0x16: {  	s3 =	sld [smem:$0x3FDB];
	s0 =	simm.s32 @p2 $0x1  }
0x17: {  	s4 =	simm.s32 $0x1BF5;
	[smem:$0x3FBB] =	sst s0  }
0x18: {  	s0 =	sld [smem:$0x3F9E];
	_ =	swait.ge [sflag:s4], $0x0  }
0x19: {  	s7 =	sld [smem:$0x3F9F]  }
0x1a: {  	s8 =	sadd.s32 $0xFFFFE003, lr  }
0x1b: {  	s9 =	sadd.s32 $0xFFFFFEF7, lr;
	s5 =	simm.s32 $0xFFFFFFFF;
	p2 =	slt.u32 s8, $0xFFFFF086  }
0x1c: {  	p1 =	slt.u32 s9, $0xF7A;
	s5 =	simm.s32 @!p2 $0x0  }
0x1d: {  	s5 =	simm.s32 @p1 $0x1;
	p0 =	seq.s32 s7, s2  }
0x1e: {  	s7 =	smul.u32 @!p0 $0xF7A, s2;
	p2 =	seq.s32 @!p0 s5, $0x0  }
0x1f: {  	s9 =	smul.u32 $0xF7A, s1;
	s8 =	simm.s32 @!p0 $0x1BF5;
	p2 =	por !p2, p0  }
0x20: {  	[sflag:s8] =	ssyncset.s32 @!p0 $0xFFFFF086;
	s6 =	sadd.s32 @!p0 s3, s7;
	s7 =	simm.s32 @!p0 $0x108  }
0x21: {  	s3 =	sadd.s32 s3, s9;
	s6 =	sadd.s32 @!p0 $0x88, s6;
	s7 =	simm.s32 @p2 $0x1082  }
0x22: {  	[simem:s7], [sflag:s8] =	dma.local @!p0 [hbm:s6], $0xF7A  }
0x23: {  	s9 =	sor.u32 $0xD0000000, s2;
	s6 =	simm.s32 $0x108;
	_ =	swait.ge @!p0 [sflag:s8], $0x0  }
0x24: {  	s3 =	sadd.s32 $0x88, s3;
	s6 =	simm.s32 @!p1 $0x1082;
	[sflag:s4] =	ssyncset.s32 $0xFFFFF086  }
0x25: {  	[simem:s6], [sflag:s4] =	dma.local [hbm:s3], $0xF7A  }
0x26: {  	[smem:$0x3F9F] =	sst s1;
	(tag) =	ssettag s2;
	_ =	strace s9  }
0x27: {  	s1 =	sld [smem:$0x3FAF]  }
0x28: {  	s2 =	sld [smem:$0x3FB0]  }
0x29: {  	s4 =	sld [smem:$0x3FB2]  }
0x2a: {  	p0 =	seq.s32 s5, $0x0;
	s5 =	sld [smem:$0x3FB3]  }
0x2b: {  	s6 =	sld [smem:$0x3FB4]  }
0x2c: {  	s7 =	sld [smem:$0x3FB5]  }
0x2d: {  	s3 =	simm.s32 $0x108;
	s8 =	sld [smem:$0x3FB6]  }
0x2e: {  	s3 =	simm.s32 @!p0 $0x1082;
	s9 =	sld [smem:$0x3FB7]  }
0x2f: {  	lr =	sadd.s32 s0, s3;
	s0 =	sld [smem:$0x3FAE]  }
0x30: {  	s3 =	sld [smem:$0x3FB1]  }
0x31: {  	[smem:$0x3FBA] =	sst s10  }
0x32: {  	s10 =	sld [smem:$0x3FB8];
	_ =	sdelay $0x3  }
0x33: {  	p0 =	seq.s32 s10, $0x1;
	s10 =	sld [smem:$0x3FBA];
	_ =	sdelay $0x3  }
0x34: {  	[smem:$0x3FBA] =	sst s10  }
0x35: {  	s10 =	sld [smem:$0x3FB9];
	_ =	sdelay $0x3  }
0x36: {  	p1 =	seq.s32 s10, $0x1;
	s10 =	sld [smem:$0x3FBA];
	_ =	sdelay $0x3  }
0x37: {  	[smem:$0x3FBA] =	sst s10  }
0x38: {  	s10 =	sld [smem:$0x3FBB]  }
0x39: {  	_ = 	snop;
	(pc) =	sbr.ind lr, $3  }
0x3a: {  	_ = 	snop  }
0x3b: {  	_ = 	snop  }
0x3c: {  	p2 =	seq.s32 s10, $0x1;
	s10 =	sld [smem:$0x3FBA]  }
0x3d: {  	_ =	shalt  }
0x3e: {  	_ =	shalt  }
0x3f: {  	_ =	shalt  }
0x40: {  	_ =	shalt  }
0x41: {  	_ =	shalt  }
0x42: {  	_ =	shalt  }
0x43: {  	_ =	shalt  }
0x44: {  	_ =	shalt  }
0x45: {  	_ =	shalt  }
0x46: {  	_ =	shalt  }
0x47: {  	_ =	shalt  }
0x48: {  	_ =	shalt  }
0x49: {  	_ =	shalt  }
0x4a: {  	_ =	shalt  }
0x4b: {  	_ =	shalt  }
0x4c: {  	_ =	shalt  }
0x4d: {  	_ =	shalt  }
0x4e: {  	_ =	shalt  }
0x4f: {  	_ =	shalt  }
0x50: {  	_ =	shalt  }
0x51: {  	_ =	shalt  }
0x52: {  	_ =	shalt  }
0x53: {  	_ =	shalt  }
0x54: {  	_ =	shalt  }
0x55: {  	_ =	shalt  }
0x56: {  	_ =	shalt  }
0x57: {  	_ =	shalt  }
0x58: {  	_ =	shalt  }
0x59: {  	_ =	shalt  }
0x5a: {  	_ =	shalt  }
0x5b: {  	_ =	shalt  }
0x5c: {  	_ =	shalt  }
0x5d: {  	_ =	shalt  }
0x5e: {  	_ =	shalt  }
0x5f: {  	_ =	shalt  }
0x60: {  	_ =	shalt  }
0x61: {  	_ =	shalt  }
0x62: {  	_ =	shalt  }
0x63: {  	_ =	shalt  }
0x64: {  	_ =	shalt  }
0x65: {  	_ =	shalt  }
0x66: {  	_ =	shalt  }
0x67: {  	_ =	shalt  }
0x68: {  	_ =	shalt  }
0x69: {  	_ =	shalt  }
0x6a: {  	_ =	shalt  }
0x6b: {  	_ =	shalt  }
0x6c: {  	_ =	shalt  }
0x6d: {  	_ =	shalt  }
0x6e: {  	_ =	shalt  }
0x6f: {  	_ =	shalt  }
0x70: {  	_ =	shalt  }
0x71: {  	_ =	shalt  }
0x72: {  	_ =	shalt  }
0x73: {  	_ =	shalt  }
0x74: {  	_ =	shalt  }
0x75: {  	_ =	shalt  }
0x76: {  	_ =	shalt  }
0x77: {  	_ =	shalt  }
0x78: {  	_ =	shalt  }
0x79: {  	_ =	shalt  }
0x7a: {  	_ =	shalt  }
0x7b: {  	_ =	shalt  }
0x7c: {  	_ =	shalt  }
0x7d: {  	_ =	shalt  }
0x7e: {  	_ =	shalt  }
0x7f: {  	_ =	shalt  }
0x80: {  	_ =	shalt  }
0x81: {  	_ =	shalt  }
0x82: {  	_ =	shalt  }
0x83: {  	_ =	shalt  }
0x84: {  	_ =	shalt  }
0x85: {  	_ =	shalt  }
0x86: {  	_ =	shalt  }
0x87: {  	_ =	shalt  }
.Lfunc_end0:
.L_simem_size_0:
called_computation_lowered:
.L_overlay_start_0:
0x88: {  	s2 =	sld [smem:$0x3FD9]  }
0x89: {  	s3 =	sld [smem:$0x3FFE];
	_ =	sdelay $0x1  }
0x8a: {  	s1 =	srdreg.scid  }
0x8b: {  	s0 =	sand.u32 $0x1, s1  }
0x8c: {  	s18 =	sshll.u32 s0, $0xA;
	s2 =	sadd.s32 s3, s2  }
0x8d: {  	s2 =	sadd.s32 s2, s18  }
0x8e: {  	[smem:$0x3FC6] =	sst s2  }
0x8f: {  	_ = 	snop  }
0x90: {  	s2 =	sld [smem:$0x3FC9]  }
0x91: {  	s19 =	sld [smem:$0x3FC8]  }
0x92: {  	s4 =	sld [smem:$0x3FD0];
	(tm) =	ssettm $0x1  }
0x93: {  	s5 =	sld [smem:$0x3FFB];
	_ =	sdelay $0x3  }
0x94: {  	_ =	strace s5  }
0x95: {  	s5 =	sld [smem:$0x3FFC];
	_ =	sdelay $0x3  }
0x96: {  	_ =	strace s5  }
0x97: {  	s5 =	sld [smem:$0x3FFD];
	_ =	sdelay $0x3  }
0x98: {  	_ =	strace s5  }
0x99: {  	_ =	strace $0x8FFFFFFF  }
0x9a: {  	s20 =	sld [smem:$0x3FDB];
	_ =	sdelay $0x1  }
0x9b: {  	s6 =	simm.s32 $_scs_section_size  }
0x9c: {  	s7 =	simm.s32 $_size__tile_overlayer_lowered;
	s8 =	simm.s32 $_tile_overlayer_lowered  }
0x9d: {  	s23 =	simm.s32 $0x1BFF;
	s22 =	sshll.u32 s8, $0x1;
	s5 =	sadd.s32 s6, s20  }
0x9e: {  	s9 =	simm.s32 $0x0;
	s21 =	sshll.u32 s7, $0x1;
	s7 =	sadd.s32 s22, s5  }
0x9f: {  	[timem:s9], [sflag:s23] =	dma.local [hbm:s7], s21  }
0xa0: {  	_ =	swait.ge [sflag:s23], s21  }
0xa1: {  	s6 =	ssub.s32 $0x0, s21;
	[sflag:s23] =	ssyncset.done $0x0  }
0xa2: {  	[sflag:s23] =	ssyncadd.s32 s6;
	_ =	sdelay $0x1  }
0xa3: {  	s24 =	simm.s32 $0x1B8B  }
0xa4: {  	_ =	swait.ge [sflag:s24], $0x1  }
0xa5: {  	[sflag:s24] =	ssyncset.done $0x0  }
0xa6: {  	s25 =	simm.s32 $0x1B8E;
	[sflag:s24] =	ssyncadd.s32 $0xFFFFFFFF  }
0xa7: {  	s26 =	simm.s32 $execute0_lowered;
	[smem:$0x3FD2] =	sst s25  }
0xa8: {  	s6 =	sshll.u32 s26, $0x1;
	_ =	strace $0x80000046;
	[dreg:$0x1] =	wrdreg $0xFFFFFFFF  }
0xa9: {  	s28 =	simm.s32 $_size_execute0_lowered;
	s5 =	sadd.s32 s5, s6;
	[dreg:$0x0] =	wrdreg $0x0  }
0xaa: {  	s6 =	sshll.u32 s28, $0x1;
	[dreg:$0x2] =	wrdreg s5  }
0xab: {  	[dreg:$0x3] =	wrdreg s6  }
0xac: {  	[dreg:$0x4] =	wrdreg $0xC0  }
0xad: {  	_ =	task [dreg:s9], $0x5FFFF  }
0xae: {  	[dreg:$0x1] =	wrdreg $0xFFFFFFFF  }
0xaf: {  	[dreg:$0x0] =	wrdreg $0x60  }
0xb0: {  	[dreg:$0x2] =	wrdreg s2  }
0xb1: {  	[dreg:$0x3] =	wrdreg s19  }
0xb2: {  	[dreg:$0x4] =	wrdreg s4  }
0xb3: {  	[dreg:$0x5] =	wrdreg $0xD1000  }
0xb4: {  	[dreg:$0x6] =	wrdreg $0x9  }
0xb5: {  	_ =	task.clear_ibuf [dreg:s9], $0x7FFFF;
	_ =	strace $0x90000046  }
0xb6: {  	s29 =	simm.s32 $0x9;
	_ =	strace $0x80000048  }
0xb7: {  	_ =	swait.ge [sflag:s29], $0x1  }
0xb8: {  	[sflag:s29] =	ssyncadd.s32 $0xFFFFFFFF  }
0xb9: {  	_ =	strace $0x90000048  }
0xba: {  	_ =	sfence  }
0xbb: {  	s30 =	sld [smem:$0x0];
	_ =	sdelay $0x2  }
0xbc: {  	s31 =	sshll.u32 s1, $0xD;
	s1 =	sshrl.u32 s1, $0x2  }
0xbd: {  	s3 =	sand.u32 $0x4000, s31;
	s1 =	sadd.s32 s1, s30  }
0xbe: {  	s0 =	sor.u32 s3, s0;
	s1 =	sshll.u32 s1, $0x11  }
0xbf: {  	s0 =	sor.u32 s1, s0  }
0xc0: {  	s0 =	sadd.s32 $0x8F2B, s0  }
0xc1: {  	[sflag:s0] =	ssyncadd.remote.s32 $0x1  }
0xc2: {  	_ =	sfence.sel $0xFFFF  }
0xc3: {  	[dreg:$0x0] =	wrdreg $0xFFFFFFFF;
	(pc) =	sbr.abs _section_cstart, $3  }
0xc4: {  	[dreg:$0x1] =	wrdreg $0xFFFFFFFF  }
0xc5: {  	_ =	task.clear_ibuf [dreg:s9], $0x2FFFF;
	_ =	strace $0x9FFFFFFF  }
0xc6: {  	(tm) =	ssettm $0x7FFFFFFF  }
0xc7: {  	_ =	shalt  }
tec
execute0_lowered:
.L_overlay_start_1:
0x0: {  	(tag) =	ssettag $0x1  }
0x1: {  	s24 =	stileid.u32  }
0x2: {  	p0 =	sgt.s32 s24, $0x1  }
0x3: {  	p1 =	seq.s32 @p0 s24, $0x2  }
0x4: {  	p2 =	por !p1, !p0  }
0x5: {  	s0 =	simm.s32 @!p2 $0x0  }
0x6: {  	p1 =	por p1, !p0;
	s0 =	simm.s32 @p2 $0x1  }
0x7: {  	p3 =	seq.s32 @!p0 s24, $0x0;
	[smem:$0x7F0] =	sst s0;
	s0 =	simm.s32 @!p1 $0x0  }
0x8: {  	p2 =	por !p3, p0;
	p0 =	por p3, p0;
	s0 =	simm.s32 @p1 $0x1  }
0x9: {  	p1 =	sgt.s32 s24, $0x5;
	[smem:$0x7F1] =	sst s0;
	s0 =	simm.s32 @!p0 $0x0  }
0xa: {  	s0 =	simm.s32 @p0 $0x1;
	p0 =	seq.s32 @p1 s24, $0x6  }
0xb: {  	p4 =	por !p0, !p1  }
0xc: {  	[smem:$0x7F2] =	sst s0;
	s0 =	simm.s32 @!p4 $0x0  }
0xd: {  	p0 =	por p0, !p1;
	s0 =	simm.s32 @p4 $0x1  }
0xe: {  	p4 =	seq.s32 @!p1 s24, $0x4;
	[smem:$0x7F3] =	sst s0;
	s0 =	simm.s32 @!p0 $0x0  }
0xf: {  	s0 =	simm.s32 @p0 $0x1;
	p0 =	por !p4, p1  }
0x10: {  	p3 =	sgt.s32 s24, $0xB;
	[smem:$0x7F4] =	sst s0;
	s0 =	simm.s32 @!p0 $0x0  }
0x11: {  	p5 =	sgt.s32 @p3 s24, $0xD;
	p1 =	por p4, p1;
	s0 =	simm.s32 @p0 $0x1  }
0x12: {  	p0 =	por !p5, !p3;
	[smem:$0x7F5] =	sst s0;
	s0 =	simm.s32 @!p1 $0x0  }
0x13: {  	p0 =	seq.s32 @!p0 s24, $0xE;
	s0 =	simm.s32 @p1 $0x1;
	p1 =	por p5, !p3  }
0x14: {  	p6 =	seq.s32 @!p1 s24, $0xC;
	p1 =	por @p3 !p0, !p5  }
0x15: {  	s1 =	simm.s32 @!p1 $0x0  }
0x16: {  	s10 =	rddreg [dreg:$0x0];
	p0 =	por @p3 p0, !p5;
	s1 =	simm.s32 @p1 $0x1  }
0x17: {  	[smem:$0x7EB] =	sst s1;
	s1 =	simm.s32 @!p0 $0x0  }
0x18: {  	s11 =	rddreg [dreg:$0x1];
	s1 =	simm.s32 @p0 $0x1;
	p0 =	por @p3 !p6, p5  }
0x19: {  	[smem:$0x7EC] =	sst s1;
	s1 =	simm.s32 @!p0 $0x0  }
0x1a: {  	s2 =	rddreg [dreg:$0x2];
	p1 =	por @p3 p6, p5;
	s1 =	simm.s32 @p0 $0x1  }
0x1b: {  	p0 =	sgt.s32 @!p3 s24, $0x9;
	[smem:$0x7ED] =	sst s1;
	s1 =	simm.s32 @!p1 $0x0  }
0x1c: {  	s4 =	rddreg [dreg:$0x3];
	s1 =	simm.s32 @p1 $0x1;
	p1 =	por !p0, p3  }
0x1d: {  	s5 =	simm.s32 $0x0;
	s3 =	sld [smem:$0x7EB];
	p1 =	seq.s32 @!p1 s24, $0xA  }
0x1e: {  	s20 =	sld [smem:$0x7EC];
	p6 =	por @!p3 !p1, !p0;
	p1 =	por @!p3 p1, !p0  }
0x1f: {  	p4 =	por p0, p3;
	[smem:$0x7EE] =	sst s1;
	s1 =	simm.s32 @!p1 $0x0  }
0x20: {  	p4 =	seq.s32 @!p4 s24, $0x8;
	s21 =	sld [smem:$0x7ED];
	s1 =	simm.s32 @p1 $0x1  }
0x21: {  	p1 =	por @!p3 !p4, p0;
	p4 =	por @!p3 p4, p0;
	p0 =	seq.s32 s20, $0x1  }
0x22: {  	s19 =	srdreg.scid;
	[smem:$0x7FF] =	sst s5;
	p0 =	por p0, !p3  }
0x23: {  	s7 =	sshll.u32 s24, $0xA;
	p5 =	seq.s32 s3, $0x1;
	s3 =	simm.s32 @!p0 $0x0  }
0x24: {  	s22 =	sld [smem:$0x7EE];
	s3 =	simm.s32 @p0 $0x1;
	p0 =	seq.s32 s21, $0x1  }
0x25: {  	s26 =	sadd.s32 $0x1C9C0, s11;
	[smem:$0x7F6] =	sst s0;
	p0 =	por p0, !p3  }
0x26: {  	s9 =	sadd.s32 $0x80, s10;
	[smem:$0x7F8] =	sst s3;
	s3 =	simm.s32 @!p0 $0x0  }
0x27: {  	p5 =	por p5, !p3;
	s3 =	simm.s32 @p0 $0x1;
	p0 =	seq.s32 s22, $0x1  }
0x28: {  	p6 =	por p6, p3;
	[smem:$0x7EF] =	sst s1;
	p0 =	por p0, !p3  }
0x29: {  	s1 =	sand.u32 $0x1, s19;
	[smem:$0x7F9] =	sst s3;
	s3 =	simm.s32 @!p0 $0x0  }
0x2a: {  	s23 =	sld [smem:$0x7EF];
	s25 =	ssub.s32 $0x2, s1;
	s3 =	simm.s32 @p0 $0x1  }
0x2b: {  	s1 =	sshll.u32 s1, $0x9;
	s6 =	sshrl.u32 s25, $0x1;
	[smem:$0x7FA] =	sst s3  }
0x2c: {  	s3 =	ssub.s32 s25, s6;
	s6 =	sor.u32 s1, s7;
	_ =	strace $0x80000047  }
0x2d: {  	s8 =	sadd.s32 s10, s6;
	s10 =	smax.u32 s3, $0x1;
	s3 =	sld [smem:$0x7F0]  }
0x2e: {  	p1 =	por p1, p3;
	p0 =	seq.s32 s23, $0x1;
	[dreg:$0x5] =	wrdreg s26  }
0x2f: {  	s22 =	sadd.s32 $0x1E900, s4;
	p0 =	por p0, p3;
	s26 =	sld [smem:$0x7F1]  }
0x30: {  	p3 =	por p4, p3;
	p4 =	seq.s32 s3, $0x1;
	s3 =	sld [smem:$0x7F2]  }
0x31: {  	s12 =	sadd.s32 $0xB7200, s4;
	s0 =	sshrl.u32 @!p4 s22, $0x3;
	s22 =	sld [smem:$0x7F4]  }
0x32: {  	s13 =	sadd.s32 $0xA7E00, s4;
	p4 =	seq.s32 s26, $0x1;
	s26 =	sld [smem:$0x7F6]  }
0x33: {  	s14 =	sadd.s32 $0x98A00, s4;
	s21 =	sadd.s32 $0x2DD80, s4;
	[dreg:$0x6] =	wrdreg s0  }
0x34: {  	s15 =	sadd.s32 $0x89600, s4;
	s0 =	sshrl.u32 @!p4 s21, $0x3;
	s21 =	sld [smem:$0x7F3]  }
0x35: {  	s16 =	sadd.s32 $0x7A200, s4;
	s17 =	sadd.s32 $0x6AE00, s4;
	[dreg:$0x7] =	wrdreg s0  }
0x36: {  	s23 =	sadd.s32 $0xF480, s4;
	p4 =	seq.s32 s3, $0x1;
	s3 =	sld [smem:$0x7F8]  }
0x37: {  	s18 =	sadd.s32 $0x5BA00, s4;
	s0 =	sshrl.u32 @!p4 s23, $0x3;
	s23 =	sld [smem:$0x7F5]  }
0x38: {  	[dreg:$0x8] =	wrdreg s0;
	p4 =	seq.s32 s21, $0x1;
	s21 =	sadd.s32 $0x7A40, s11  }
0x39: {  	s28 =	sadd.s32 $0x18CC0, s11;
	s0 =	sshrl.u32 @!p4 s18, $0x3;
	[dreg:$0x17] =	wrdreg s21  }
0x3a: {  	s29 =	sadd.s32 $0x16E40, s11;
	p4 =	seq.s32 s22, $0x1;
	[dreg:$0x9] =	wrdreg s0  }
0x3b: {  	s18 =	sadd.s32 $0xD5C0, s11;
	s0 =	sshrl.u32 @!p4 s17, $0x3;
	s17 =	sld [smem:$0x7FA]  }
0x3c: {  	s20 =	sadd.s32 $0x3D200, s4;
	s22 =	sadd.s32 $0x5BB0, s11;
	[dreg:$0x14] =	wrdreg s18  }
0x3d: {  	s19 =	sadd.s32 $0x4C600, s4;
	p4 =	seq.s32 s23, $0x1;
	[dreg:$0x18] =	wrdreg s22  }
0x3e: {  	[dreg:$0xa] =	wrdreg s0;
	s0 =	sshrl.u32 @!p4 s20, $0x3;
	p4 =	seq.s32 s26, $0x1  }
0x3f: {  	s30 =	sadd.s32 $0x14FC0, s11;
	[dreg:$0xb] =	wrdreg s0;
	s0 =	sshrl.u32 @!p4 s19, $0x3  }
0x40: {  	s23 =	sadd.s32 $0x3D20, s11;
	[dreg:$0xc] =	wrdreg s0;
	s0 =	simm.s32 @!p5 $0x0  }
0x41: {  	s31 =	sadd.s32 $0x13140, s11;
	[dreg:$0x19] =	wrdreg s23;
	s0 =	simm.s32 @p5 $0x1  }
0x42: {  	s1 =	sadd.s32 $0xE4E00, s4;
	s7 =	sadd.s32 $0xD5A00, s4;
	[smem:$0x7F7] =	sst s0  }
0x43: {  	s20 =	sadd.s32 $0x98C0, s11;
	s0 =	sshrl.u32 @!p5 s7, $0x3;
	s7 =	sld [smem:$0x7F9]  }
0x44: {  	s25 =	sadd.s32 $0xC6600, s4;
	s19 =	sadd.s32 $0xB740, s11;
	[dreg:$0x16] =	wrdreg s20  }
0x45: {  	s26 =	sadd.s32 $0x1AB40, s11;
	p4 =	seq.s32 s3, $0x1;
	[dreg:$0x15] =	wrdreg s19  }
0x46: {  	[dreg:$0xd] =	wrdreg s0;
	s0 =	sshrl.u32 @!p4 s1, $0x3;
	p4 =	seq.s32 s7, $0x1  }
0x47: {  	[dreg:$0xe] =	wrdreg s0;
	s0 =	sshrl.u32 @!p4 s12, $0x3;
	p4 =	seq.s32 s17, $0x1  }
0x48: {  	s3 =	sadd.s32 $0x112C0, s11;
	[dreg:$0xf] =	wrdreg s0;
	s0 =	sshrl.u32 @!p4 s25, $0x3  }
0x49: {  	s1 =	simm.s32 $0x0;
	[dreg:$0x10] =	wrdreg s0;
	s0 =	simm.s32 @!p6 $0x0  }
0x4a: {  	s12 =	simm.s32 $0x20000;
	s17 =	simm.s32 $0x3;
	s0 =	simm.s32 @p6 $0x1  }
0x4b: {  	s25 =	sshrl.u32 @!p3 s15, $0x3;
	[smem:$0x7FB] =	sst s0;
	s0 =	sshrl.u32 @!p6 s14, $0x3  }
0x4c: {  	p4 =	sgt.s32 s24, $0x7;
	[dreg:$0x11] =	wrdreg s0;
	s0 =	sshrl.u32 @!p0 s13, $0x3  }
0x4d: {  	s15 =	simm.s32 $0x2;
	[dreg:$0x12] =	wrdreg s0;
	s0 =	sshrl.u32 @!p1 s16, $0x3  }
0x4e: {  	s14 =	simm.s32 $0x1;
	[dreg:$0x13] =	wrdreg s0;
	s0 =	simm.s32 @!p4 $0x0  }
0x4f: {  	s13 =	simm.s32 $0x3000;
	s0 =	simm.s32 @p4 $0x1;
	p4 =	sgt.s32 s24, $0x3  }
0x50: {  	s24 =	sadd.s32 $0x1E90, s11;
	[smem:$0x7FC] =	sst s0;
	s0 =	simm.s32 @!p4 $0x0  }
0x51: {  	s16 =	simm.s32 $0x80;
	[dreg:$0x1a] =	wrdreg s24;
	s0 =	simm.s32 @p4 $0x1  }
0x52: {  	[smem:$0x7FD] =	sst s0;
	s0 =	sadd.s32 $0xF440, s11;
	s11 =	simm.s32 $0x400  }
.LBB2_1:
0x53: {  	s7 =	sld [smem:$0x7FC];
	_ =	sdelay $0x2  }
0x54: {  	p4 =	seq.s32 s7, $0x1  }
.Ltmp0:
0x55: {  	_ = 	snop;
	(pc) =	sbr.rel @p4 .LBB2_5-.Ltmp0, $1  }
0x56: {  	_ =	sdelay $0x3  }
0x57: {  	s7 =	sld [smem:$0x7FD];
	_ =	sdelay $0x2  }
0x58: {  	p4 =	seq.s32 s7, $0x1  }
.Ltmp1:
0x59: {  	_ = 	snop;
	(pc) =	sbr.rel @p4 .LBB2_4-.Ltmp1, $1  }
0x5a: {  	_ =	sdelay $0x3  }
0x5b: {  	s7 =	sld [smem:$0x7F0];
	_ =	sdelay $0x2  }
0x5c: {  	s18 =	rddreg [dreg:$0x6];
	p4 =	seq.s32 s7, $0x1  }
0x5d: {  	s19 =	rddreg [dreg:$0x19];
	s7 =	simm.s32 @!p4 $0x1C84  }
0x5e: {  	[spmem:s18], [sflag:s7] =	dma.local @!p4 [hbm:s19], $0x1E90  }
0x5f: {  	s7 =	simm.s32 @!p4 $0x4  }
0x60: {  	_ =	swait.ge @!p4 [sflag:s7], $0x1E90  }
0x61: {  	s23 =	sld [smem:$0x7F1];
	_ =	sdelay $0x1  }
0x62: {  	[sflag:s7] =	ssyncset.done @!p4 $0x0  }
0x63: {  	s18 =	rddreg [dreg:$0x7];
	[sflag:s7] =	ssyncadd.s32 @!p4 $0xFFFFE170;
	p4 =	seq.s32 s23, $0x1  }
0x64: {  	s19 =	rddreg [dreg:$0x18];
	s7 =	simm.s32 @!p4 $0x1CC4  }
0x65: {  	[spmem:s18], [sflag:s7] =	dma.local @!p4 [hbm:s19], $0x1E90  }
0x66: {  	s7 =	simm.s32 @!p4 $0x4  }
0x67: {  	_ =	swait.ge @!p4 [sflag:s7], $0x1E90  }
0x68: {  	[sflag:s7] =	ssyncset.done @!p4 $0x0  }
0x69: {  	[sflag:s7] =	ssyncadd.s32 @!p4 $0xFFFFE170  }
0x6a: {  	s18 =	simm.s32 @!p2 $0x1C04;
	s7 =	sshrl.u32 @!p2 s4, $0x3;
	s20 =	rddreg [dreg:$0x1]  }
0x6b: {  	[spmem:s7], [sflag:s18] =	dma.local @!p2 [hbm:s20], $0x1E90  }
0x6c: {  	s7 =	simm.s32 @!p2 $0x4  }
0x6d: {  	_ =	swait.ge @!p2 [sflag:s7], $0x1E90  }
0x6e: {  	v0 =	vlaneseq.u32 @!p2;
	[sflag:s7] =	ssyncset.done @!p2 $0x0  }
0x6f: {  	v1 =	vor.u32 @!p2 $0xF4200, v0;
	[sflag:s7] =	ssyncadd.s32 @!p2 $0xFFFFE170  }
0x70: {  	[tilespmem:$0xD000] =	vst @!p2 v1;
	v1 =	vor.u32 @!p2 $0xF4210, v0  }
0x71: {  	[tilespmem:$0xD010] =	vst @!p2 v1;
	v1 =	vor.u32 @!p2 $0xF4220, v0  }
0x72: {  	v0 =	vor.u32 @!p2 $0xF4230, v0;
	[tilespmem:$0xD020] =	vst @!p2 v1  }
0x73: {  	s19 =	simm.s32 @!p2 $0xD080;
	s18 =	simm.s32 @!p2 $0xD000;
	s7 =	simm.s32 @!p2 $0x40;
	[tilespmem:$0xD030] =	vst @!p2 v0  }
0x74: {  	[tilespmem:s19], [sflag:$0x2] =	stream.indirect.gather @!p2 [hbm4b:s20+s7], $0x1, s18, s7, $0xb8;
	[tilespmem:$0x1C528] =	vst v63  }
0x75: {  	s20 =	simm.s32 @!p2 $0x2  }
0x76: {  	_ =	swait.ge @!p2 [sflag:s20], $0x40  }
0x77: {  	[sflag:s20] =	ssyncset.done @!p2 $0x0  }
0x78: {  	[sflag:s20] =	ssyncadd.s32 @!p2 $0xFFFFFFC0  }
0x79: {  	[spmem:s4] =	stream.indirect.scatter @!p2 [tilespmem:s19], [sflag:$0x2], $0x1, s18, s7, $0xb8;
	[tilespmem:$0x1C528] =	vst v63  }
0x7a: {  	_ =	swait.ge @!p2 [sflag:s20], $0x40  }
0x7b: {  	s24 =	sld [smem:$0x7F2];
	_ =	sdelay $0x2  }
0x7c: {  	[sflag:s20] =	ssyncset.done @!p2 $0x0;
	s18 =	rddreg [dreg:$0x8];
	p4 =	seq.s32 s24, $0x1  }
0x7d: {  	s19 =	rddreg [dreg:$0x1a];
	[sflag:s20] =	ssyncadd.s32 @!p2 $0xFFFFFFC0;
	s7 =	simm.s32 @!p4 $0x1C44  }
0x7e: {  	[spmem:s18], [sflag:s7] =	dma.local @!p4 [hbm:s19], $0x1E90  }
.Ltmp2:
0x7f: {  	_ = 	snop;
	(pc) =	sbr.rel .LBB2_6-.Ltmp2, $4  }
0x80: {  	s7 =	simm.s32 @!p4 $0x4  }
0x81: {  	_ =	swait.ge @!p4 [sflag:s7], $0x1E90  }
0x82: {  	[sflag:s7] =	ssyncset.done @!p4 $0x0  }
0x83: {  	[sflag:s7] =	ssyncadd.s32 @!p4 $0xFFFFE170  }
.LBB2_5:
0x84: {  	s7 =	sld [smem:$0x7F7];
	_ =	sdelay $0x2  }
0x85: {  	p4 =	seq.s32 s7, $0x1  }
0x86: {  	s18 =	rddreg [dreg:$0xd];
	s7 =	simm.s32 @!p4 $0x1F84  }
0x87: {  	[spmem:s18], [sflag:s7] =	dma.local @!p4 [hbm:s26], $0x1E80  }
0x88: {  	s7 =	simm.s32 @!p4 $0x4  }
0x89: {  	_ =	swait.ge @!p4 [sflag:s7], $0x1E80  }
0x8a: {  	s21 =	sld [smem:$0x7F8];
	_ =	sdelay $0x1  }
0x8b: {  	[sflag:s7] =	ssyncset.done @!p4 $0x0  }
0x8c: {  	s18 =	rddreg [dreg:$0x5];
	[sflag:s7] =	ssyncadd.s32 @!p4 $0xFFFFE180;
	p4 =	seq.s32 s21, $0x1  }
0x8d: {  	s19 =	rddreg [dreg:$0xe];
	s7 =	simm.s32 @!p4 $0x1FC4  }
0x8e: {  	[spmem:s19], [sflag:s7] =	dma.local @!p4 [hbm:s18], $0x1E80  }
0x8f: {  	s7 =	simm.s32 @!p4 $0x4  }
0x90: {  	_ =	swait.ge @!p4 [sflag:s7], $0x1E80  }
0x91: {  	s22 =	sld [smem:$0x7F9];
	_ =	sdelay $0x1  }
0x92: {  	[sflag:s7] =	ssyncset.done @!p4 $0x0  }
0x93: {  	[sflag:s7] =	ssyncadd.s32 @!p4 $0xFFFFE180;
	p4 =	seq.s32 s22, $0x1  }
0x94: {  	s18 =	rddreg [dreg:$0xf];
	s7 =	simm.s32 @!p4 $0x1F04  }
0x95: {  	[spmem:s18], [sflag:s7] =	dma.local @!p4 [hbm:s29], $0x1E80  }
0x96: {  	s7 =	simm.s32 @!p4 $0x4  }
0x97: {  	_ =	swait.ge @!p4 [sflag:s7], $0x1E80  }
0x98: {  	s23 =	sld [smem:$0x7FA];
	_ =	sdelay $0x1  }
0x99: {  	[sflag:s7] =	ssyncset.done @!p4 $0x0  }
0x9a: {  	[sflag:s7] =	ssyncadd.s32 @!p4 $0xFFFFE180;
	p4 =	seq.s32 s23, $0x1  }
0x9b: {  	s18 =	rddreg [dreg:$0x10];
	s7 =	simm.s32 @!p4 $0x1F44  }
0x9c: {  	[spmem:s18], [sflag:s7] =	dma.local @!p4 [hbm:s28], $0x1E80  }
0x9d: {  	s7 =	simm.s32 @!p4 $0x4  }
0x9e: {  	_ =	swait.ge @!p4 [sflag:s7], $0x1E80  }
0x9f: {  	s24 =	sld [smem:$0x7FB];
	_ =	sdelay $0x1  }
0xa0: {  	[sflag:s7] =	ssyncset.done @!p4 $0x0  }
0xa1: {  	[sflag:s7] =	ssyncadd.s32 @!p4 $0xFFFFE180;
	p4 =	seq.s32 s24, $0x1  }
0xa2: {  	s18 =	rddreg [dreg:$0x11];
	s7 =	simm.s32 @!p4 $0x1E84  }
0xa3: {  	[spmem:s18], [sflag:s7] =	dma.local @!p4 [hbm:s31], $0x1E80  }
0xa4: {  	s7 =	simm.s32 @!p4 $0x4  }
0xa5: {  	_ =	swait.ge @!p4 [sflag:s7], $0x1E80  }
0xa6: {  	[sflag:s7] =	ssyncset.done @!p4 $0x0  }
0xa7: {  	s18 =	rddreg [dreg:$0x12];
	[sflag:s7] =	ssyncadd.s32 @!p4 $0xFFFFE180;
	s7 =	simm.s32 @!p0 $0x1EC4  }
0xa8: {  	[spmem:s18], [sflag:s7] =	dma.local @!p0 [hbm:s30], $0x1E80  }
0xa9: {  	s7 =	simm.s32 @!p0 $0x4  }
0xaa: {  	_ =	swait.ge @!p0 [sflag:s7], $0x1E80  }
0xab: {  	[sflag:s7] =	ssyncset.done @!p0 $0x0  }
0xac: {  	s18 =	rddreg [dreg:$0x13];
	[sflag:s7] =	ssyncadd.s32 @!p0 $0xFFFFE180;
	s7 =	simm.s32 @!p1 $0x1E04  }
0xad: {  	[spmem:s18], [sflag:s7] =	dma.local @!p1 [hbm:s0], $0x1E80  }
0xae: {  	s7 =	simm.s32 @!p1 $0x4  }
0xaf: {  	_ =	swait.ge @!p1 [sflag:s7], $0x1E80  }
0xb0: {  	[sflag:s7] =	ssyncset.done @!p1 $0x0  }
0xb1: {  	[sflag:s7] =	ssyncadd.s32 @!p1 $0xFFFFE180;
	s7 =	simm.s32 @!p3 $0x1E44  }
0xb2: {  	[spmem:s25], [sflag:s7] =	dma.local @!p3 [hbm:s3], $0x1E80  }
.Ltmp3:
0xb3: {  	_ = 	snop;
	(pc) =	sbr.rel .LBB2_6-.Ltmp3, $4  }
0xb4: {  	s7 =	simm.s32 @!p3 $0x4  }
0xb5: {  	_ =	swait.ge @!p3 [sflag:s7], $0x1E80  }
0xb6: {  	[sflag:s7] =	ssyncset.done @!p3 $0x0  }
0xb7: {  	[sflag:s7] =	ssyncadd.s32 @!p3 $0xFFFFE180  }
.LBB2_4:
0xb8: {  	s7 =	sld [smem:$0x7F3];
	_ =	sdelay $0x2  }
0xb9: {  	s18 =	rddreg [dreg:$0x9];
	p4 =	seq.s32 s7, $0x1  }
0xba: {  	s19 =	rddreg [dreg:$0x15];
	s7 =	simm.s32 @!p4 $0x1D84  }
0xbb: {  	[spmem:s18], [sflag:s7] =	dma.local @!p4 [hbm:s19], $0x1E80  }
0xbc: {  	s7 =	simm.s32 @!p4 $0x4  }
0xbd: {  	_ =	swait.ge @!p4 [sflag:s7], $0x1E80  }
0xbe: {  	s22 =	sld [smem:$0x7F4];
	_ =	sdelay $0x1  }
0xbf: {  	[sflag:s7] =	ssyncset.done @!p4 $0x0  }
0xc0: {  	s18 =	rddreg [dreg:$0xa];
	[sflag:s7] =	ssyncadd.s32 @!p4 $0xFFFFE180;
	p4 =	seq.s32 s22, $0x1  }
0xc1: {  	s19 =	rddreg [dreg:$0x14];
	s7 =	simm.s32 @!p4 $0x1DC4  }
0xc2: {  	[spmem:s18], [sflag:s7] =	dma.local @!p4 [hbm:s19], $0x1E80  }
0xc3: {  	s7 =	simm.s32 @!p4 $0x4  }
0xc4: {  	_ =	swait.ge @!p4 [sflag:s7], $0x1E80  }
0xc5: {  	s23 =	sld [smem:$0x7F5];
	_ =	sdelay $0x1  }
0xc6: {  	[sflag:s7] =	ssyncset.done @!p4 $0x0  }
0xc7: {  	s18 =	rddreg [dreg:$0xb];
	[sflag:s7] =	ssyncadd.s32 @!p4 $0xFFFFE180;
	p4 =	seq.s32 s23, $0x1  }
0xc8: {  	s19 =	rddreg [dreg:$0x17];
	s7 =	simm.s32 @!p4 $0x1D04  }
0xc9: {  	[spmem:s18], [sflag:s7] =	dma.local @!p4 [hbm:s19], $0x1E80  }
0xca: {  	s7 =	simm.s32 @!p4 $0x4  }
0xcb: {  	_ =	swait.ge @!p4 [sflag:s7], $0x1E80  }
0xcc: {  	s24 =	sld [smem:$0x7F6];
	_ =	sdelay $0x1  }
0xcd: {  	[sflag:s7] =	ssyncset.done @!p4 $0x0  }
0xce: {  	s18 =	rddreg [dreg:$0xc];
	[sflag:s7] =	ssyncadd.s32 @!p4 $0xFFFFE180;
	p4 =	seq.s32 s24, $0x1  }
0xcf: {  	s19 =	rddreg [dreg:$0x16];
	s7 =	simm.s32 @!p4 $0x1D44  }
0xd0: {  	[spmem:s18], [sflag:s7] =	dma.local @!p4 [hbm:s19], $0x1E80  }
0xd1: {  	s7 =	simm.s32 @!p4 $0x4  }
0xd2: {  	_ =	swait.ge @!p4 [sflag:s7], $0x1E80  }
0xd3: {  	[sflag:s7] =	ssyncset.done @!p4 $0x0  }
0xd4: {  	[sflag:s7] =	ssyncadd.s32 @!p4 $0xFFFFE180  }
.LBB2_6:
0xd5: {  	s7 =	simm.s32 $0x0  }
0xd6: {  	[tilespmem:s7], [sflag:$0x2] =	stream.strided.gather [hbm4b:s8+s11], $0x3000, s12, s11, $0x38;
	[tilespmem:$0x1C528] =	vst v63  }
0xd7: {  	s18 =	sadd.s32 $0x30000, s8  }
0xd8: {  	[tilespmem:s13], [sflag:$0x2] =	stream.linear.gather [hbm4b:s18+s7], $0x200, $0x38;
	[tilespmem:$0x1C528] =	vst v63  }
0xd9: {  	p4 =	por $0x0, $0x0;
	[bflag:$0x0] =	sbarrier.arrive $0xFFFF  }
.LBB2_7:
0xda: {  	p5 =	slt.u32 s7, $0x2  }
0xdb: {  	p6 =	seq.s32 @!p5 s7, $0x3  }
0xdc: {  	_ =	swait.ge [sflag:s15], $0x3200;
	p6 =	por p5, !p6  }
.Ltmp4:
0xdd: {  	[sflag:s15] =	ssyncset.done $0x0;
	(pc) =	sbr.rel @!p6 .LBB2_9-.Ltmp4, $4  }
0xde: {  	s20 =	simm.s32 @!p5 $0x3;
	[sflag:s15] =	ssyncadd.s32 $0xFFFFCE00  }
0xdf: {  	_ =	swait.ge @!p5 [sflag:s20], $0x3200  }
0xe0: {  	s18 =	sshll.u32 s7, $0x7;
	[sflag:s20] =	ssyncset.done @!p5 $0x0  }
0xe1: {  	s19 =	sadd.s32 $0x1, s7;
	s18 =	sadd.s32 s6, s18;
	[sflag:s20] =	ssyncadd.s32 @!p5 $0xFFFFCE00  }
0xe2: {  	s20 =	sand.u32 $0x1, s19  }
0xe3: {  	p5 =	seq.s32 s20, $0x1;
	s20 =	simm.s32 $0x3400  }
0xe4: {  	s21 =	sadd.s32 s18, s9;
	s20 =	simm.s32 @!p5 $0x0  }
0xe5: {  	[tilespmem:s20], [sflag:$0x2] =	stream.strided.gather [hbm4b:s21+s11], $0x3000, s12, s11, $0x38;
	[tilespmem:$0x1C528] =	vst v63  }
0xe6: {  	s21 =	sadd.s32 $0x30000, s21;
	s20 =	sadd.s32 $0x3000, s20  }
0xe7: {  	[tilespmem:s20], [sflag:$0x2] =	stream.linear.gather [hbm4b:s21+s5], $0x200, $0x38;
	[tilespmem:$0x1C528] =	vst v63  }
.LBB2_9:
0xe8: {  	s20 =	simm.s32 $0x1  }
0xe9: {  	s20 =	simm.s32 @!p4 $0x0  }
0xea: {  	s20 =	smul.u32 $0xD000, s20;
	_ =	sdelay $0x1  }
0xeb: {  	s20 =	sshrl.u32 s20, $0x2  }
0xec: {  	s7 =	sand.u32 $0x1, s7;
	s21 =	sadd.s32 $0x6800, s20  }
0xed: {  	s22 =	simm.s32 $0x200;
	s24 =	sadd.s32 $0x0, s20;
	s23 =	sadd.s32 $0x0, s21  }
.LBB2_10:
0xee: {  	[tilespmem:s23], [sflag:$0x1] =	stream.indirect.gather [spmem:s4], $0x1, s24, s16, $0xb8;
	[tilespmem:$0x1C528] =	vst v63  }
0xef: {  	s23 =	smov.u32 s22;
	p5 =	sne.s32 s22, $0xC600  }
.Ltmp5:
0xf0: {  	s22 =	sadd.s32 $0x200, s22;
	(pc) =	sbr.rel @p5 .LBB2_10-.Ltmp5, $3  }
0xf1: {  	_ =	sdelay $0x1  }
0xf2: {  	s24 =	sshra.s32 s23, $0x2  }
0xf3: {  	s23 =	sadd.s32 s24, s21;
	s24 =	sadd.s32 s24, s20  }
0xf4: {  	[tilespmem:s23], [sflag:$0x1] =	stream.indirect.gather [spmem:s4], $0x1, s24, s16, $0xb8;
	[tilespmem:$0x1C528] =	vst v63  }
0xf5: {  	s7 =	smul.u32 $0xD000, s7  }
0xf6: {  	s18 =	sadd.s32 s2, s18;
	_ =	swait.ge [sflag:s14], $0x3200  }
0xf7: {  	p5 =	sne.s32 s19, $0x4;
	[sflag:s14] =	ssyncset.done $0x0;
	s7 =	sshrl.u32 s7, $0x2  }
.Ltmp6:
0xf8: {  	[sflag:s14] =	ssyncadd.s32 $0xFFFFCE00;
	s20 =	sadd.s32 $0x6800, s7;
	(pc) =	sbr.rel @p5 .LBB2_7-.Ltmp6, $4  }
0xf9: {  	[hbm4b:s18+s11] =	stream.strided.scatter [tilespmem:s20], [sflag:$0x3], $0x3000, s12, s11, $0x38;
	[tilespmem:$0x1C528] =	vst v63  }
0xfa: {  	s7 =	sadd.s32 $0x9800, s7;
	s18 =	sadd.s32 $0x30000, s18  }
0xfb: {  	[hbm4b:s18+s5] =	stream.linear.scatter [tilespmem:s7], [sflag:$0x3], $0x200, $0x38;
	[tilespmem:$0x1C528] =	vst v63  }
0xfc: {  	p4 =	por !p4, !p4;
	s7 =	smov.u32 s19  }
0xfd: {  	s1 =	sadd.s32 $0x1, s1  }
0xfe: {  	_ =	swait.ge [sflag:s17], $0x3200;
	p4 =	sne.s32 s1, s10  }
.Ltmp7:
0xff: {  	[sflag:s17] =	ssyncset.done $0x0;
	(pc) =	sbr.rel @p4 .LBB2_1-.Ltmp7, $4  }
0x100: {  	[sflag:s17] =	ssyncadd.s32 $0xFFFFCE00  }
0x101: {  	_ =	swait.ge [sflag:s17], $0x3200  }
0x102: {  	[sflag:s17] =	ssyncset.done $0x0  }
0x103: {  	[sflag:s17] =	ssyncadd.s32 $0xFFFFCE00  }
0x104: {  	_ =	sfence.sel $0x180000  }
0x105: {  	[bflag:$0x0] =	sbarrier.arrive $0xFFFF  }
0x106: {  	_ =	strace $0x90000047  }
0x107: {  	s0 =	stileid.u32;
	[bflag:$0x2] =	sbarrier.arrive $0xFFFF  }
0x108: {  	p0 =	sne.s32 s0, $0x0;
	s0 =	rddreg [dreg:$0x4]  }
0x109: {  	s0 =	sadd.s32 @!p0 $0x100000, s0  }
0x10a: {  	[sflag:s0] =	ssyncadd.tile.s32 @!p0 $0x1;
	_ =	shalt  }
.Lfunc_end2:
_tile_overlayer_lowered:
.L_overlay_start_2:
0x10b: {  	(tag) =	ssettag $0x2  }
0x10c: {  	s0 =	rddreg [dreg:$0x0];
	s2 =	stileid.u32  }
0x10d: {  	s1 =	rddreg [dreg:$0x1];
	p0 =	sne.s32 s2, $0x0  }
0x10e: {  	s3 =	rddreg [dreg:$0x2];
	[bflag:$0x3] =	sbarrier.arrive $0xFFFF;
	s2 =	simm.s32 @!p0 $0x1C04  }
0x10f: {  	[timem:s3], [sflag:s2] =	dma.local @!p0 [hbm:s0], s1  }
0x110: {  	s0 =	simm.s32 @!p0 $0x4  }
0x111: {  	_ =	swait.ge @!p0 [sflag:s0], s1  }
0x112: {  	s1 =	ssub.s32 @!p0 $0x0, s1;
	[sflag:s0] =	ssyncset.done @!p0 $0x0  }
0x113: {  	[sflag:s0] =	ssyncadd.s32 @!p0 s1  }
0x114: {  	[bflag:$0x3] =	sbarrier.arrive $0xFFFF  }
0x115: {  	_ =	shalt  }

</sc_bundles>
